<compile_context>
chip_gen: v7x
topology: tpu7x:2x2x1
jax: 0.10.2.dev20260603
libtpu: 0.0.44.dev20260713+nightly
codegen_flags: <defaults>
</compile_context>

<pallas_src>
import functools

import jax
import jax.numpy as jnp
import numpy as np
from jax import lax
from jax.experimental import pallas as pl
from jax.experimental.pallas import tpu as pltpu
from jax.experimental.pallas import tpu_sc as plsc

NC = 2
NS = 16
CHUNK = 128
NBUF = 2
NPHASE = 2


def _sc_scatter(ei_p, features, *, n_pad, n_chunks):
    feat_rows, D = features.shape
    rpt = n_pad // NS
    pchunks = n_chunks // NPHASE
    n_outer = pchunks // NBUF
    mesh = plsc.VectorSubcoreMesh(core_axis_name="c", subcore_axis_name="s")
    last_rows = max(0, feat_rows - (NS - 1) * rpt)

    @functools.partial(
        pl.kernel,
        mesh=mesh,
        out_type=jax.ShapeDtypeStruct((NC, n_pad, D), jnp.float32),
        scratch_types=[
            pltpu.VMEM_SHARED((n_pad, D), jnp.float32),
            pltpu.VMEM((pchunks, CHUNK), jnp.int32),
            pltpu.VMEM((pchunks, CHUNK), jnp.int32),
            pltpu.VMEM((NBUF, CHUNK, D), jnp.float32),
            pltpu.SemaphoreType.DMA,
            pltpu.SemaphoreType.DMA,
        ],
    )
    def sc_kernel(ei_hbm, feat_hbm, part_hbm,
                  agg, srcs_v, dsts_v, rows_v, *gsems):
        c = lax.axis_index("c")
        s = lax.axis_index("s")
        wid = s * NC + c
        row0 = pl.multiple_of(s * rpt, 8)

        for p in range(NPHASE):
            cbase = pl.multiple_of(wid * n_chunks + p * pchunks, 8)
            pltpu.sync_copy(ei_hbm.at[0, pl.ds(cbase, pchunks)], srcs_v)
            pltpu.sync_copy(ei_hbm.at[1, pl.ds(cbase, pchunks)], dsts_v)

            if p == 0:
                @pl.when(s < NS - 1)
                def _():
                    pltpu.sync_copy(feat_hbm.at[pl.ds(row0, rpt)],
                                    agg.at[pl.ds(row0, rpt)])

                if last_rows > 0:
                    @pl.when(s == NS - 1)
                    def _():
                        pltpu.sync_copy(feat_hbm.at[pl.ds(row0, last_rows)],
                                        agg.at[pl.ds(row0, last_rows)])
                plsc.subcore_barrier()

            for b in range(NBUF):
                pltpu.async_copy(feat_hbm.at[srcs_v.at[b]], rows_v.at[b], gsems[b])

            def outer(o, carry):
                for b in range(NBUF):
                    i = o * NBUF + b
                    pltpu.make_async_copy(
                        feat_hbm.at[srcs_v.at[i]], rows_v.at[b], gsems[b]
                    ).wait()
                    pltpu.sync_copy(rows_v.at[b], agg.at[dsts_v.at[i]], add=True)

                    @pl.when(i + NBUF < pchunks)
                    def _():
                        pltpu.async_copy(
                            feat_hbm.at[srcs_v.at[i + NBUF]], rows_v.at[b], gsems[b]
                        )
                return carry

            lax.fori_loop(0, n_outer, outer, 0)
        plsc.subcore_barrier()
        plsc.subcore_barrier()

        pltpu.sync_copy(agg.at[pl.ds(row0, rpt)], part_hbm.at[c, pl.ds(row0, rpt)])

    return sc_kernel(ei_p, features)


def _tc_matmul_body(p0_ref, p1_ref, f_ref, w_ref, b_ref, o_ref):
    agg = p0_ref[0] + p1_ref[0] - f_ref[...]
    o_ref[...] = (
        jnp.dot(agg, w_ref[...], preferred_element_type=jnp.float32) + b_ref[...]
    )


def kernel(features, edge_index, weight, bias):
    N, D = features.shape
    E = edge_index.shape[1]

    quantum = NPHASE * 8
    n_chunks = -(-E // (NC * NS * CHUNK * quantum)) * quantum
    E_pad = n_chunks * NC * NS * CHUNK
    n_pad = -(-(N + 1) // (NS * 8)) * NS * 8

    pad = E_pad - E
    pad_iota = np.arange(pad, dtype=np.int32)
    tails = jnp.asarray(
        np.stack([pad_iota % N, N + pad_iota % (n_pad - N)]))
    ei_p = jnp.concatenate([edge_index, tails], axis=1).reshape(
        2, E_pad // CHUNK, CHUNK)
    parts = _sc_scatter(ei_p, features, n_pad=n_pad, n_chunks=n_chunks)

    BM = 3392
    grid = -(-N // BM)
    h = pl.pallas_call(
        _tc_matmul_body,
        grid=(grid,),
        in_specs=[
            pl.BlockSpec((1, BM, D), lambda i: (0, i, 0)),
            pl.BlockSpec((1, BM, D), lambda i: (1, i, 0)),
            pl.BlockSpec((BM, D), lambda i: (i, 0)),
            pl.BlockSpec((D, D), lambda i: (0, 0)),
            pl.BlockSpec((1, D), lambda i: (0, 0)),
        ],
        out_specs=pl.BlockSpec((BM, D), lambda i: (i, 0)),
        out_shape=jax.ShapeDtypeStruct((N, D), jnp.float32),
    )(parts, parts, features, weight, bias.reshape(1, D))
    return h

# --- scband reference (transcript-rebuilt; emitter-appended) ---
"""Pipeline reference for scband-graph-convolution-68908455297307 (READ-ONLY COPY).

The authoritative reference and input builder live on the scoring server;
editing this copy changes nothing except your own understanding.
"""

import jax, jax.numpy as jnp
import numpy as np

N = 10000
E = 320000
D_IN = 128
D_OUT = 128


def setup_inputs(seed: int = 0) -> dict:
    key = jax.random.key(seed)
    k1, k2, k3 = jax.random.split(key, 3)
    features = jax.random.normal(k1, (N, D_IN), dtype=jnp.float32)
    # edge_index[0] = src nodes, edge_index[1] = dst nodes
    edge_index = jax.random.randint(k2, (2, E), 0, N, dtype=jnp.int32)
    # xavier_uniform init for weight, zeros for bias
    limit = float(np.sqrt(6.0 / (D_IN + D_OUT)))
    weight = jax.random.uniform(k3, (D_IN, D_OUT), dtype=jnp.float32, minval=-limit, maxval=limit)
    bias = jnp.zeros((D_OUT,), dtype=jnp.float32)
    return {"features": features, "edge_index": edge_index, "weight": weight, "bias": bias}


def reference(features, edge_index, weight, bias):
    # DGL: add_self_loop(g); update_all(copy_u('h','m'), sum('m','h'))
    # i.e. h[v] = sum_{(u->v) in E} features[u] + features[v]  (self loop)
    src = edge_index[0]
    dst = edge_index[1]
    msgs = jnp.take(features, src, axis=0)          # gather (copy_u)
    agg = jax.ops.segment_sum(msgs, dst, num_segments=N)  # scatter-add (sum reduce)
    agg = agg + features                             # added self-loop contribution
    h = jnp.matmul(agg, weight) + bias
    return h

if __name__ == "__main__":
    import jax
    _d = setup_inputs()
    print(jax.jit(kernel)(*tuple(_d.values())))

</pallas_src>

<mosaic_0001>
#map = affine_map<(d0, d1) -> (0, 0, 0)>
#map1 = affine_map<(d0, d1) -> (0, 0)>
module attributes {stable_mosaic.version = 14 : i64} {
  func.func @sc_kernel(%arg0: i32, %arg1: i32, %arg2: memref<2x2560x128xi32, #tpu.memory_space<hbm>>, %arg3: memref<10000x128xf32, #tpu.memory_space<hbm>>, %arg4: memref<2x10112x128xf32, #tpu.memory_space<hbm>>, %arg5: memref<10112x128xf32, #tpu.memory_space<vmem_shared>>, %arg6: memref<40x128xi32, #tpu.memory_space<vmem>>, %arg7: memref<40x128xi32, #tpu.memory_space<vmem>>, %arg8: memref<2x128x128xf32, #tpu.memory_space<vmem>>, %arg9: memref<!tpu.dma_semaphore, #tpu.memory_space<semaphore_mem>>, %arg10: memref<!tpu.dma_semaphore, #tpu.memory_space<semaphore_mem>>) attributes {dimension_semantics = [#tpu.dimension_semantics<core_parallel>, #tpu.dimension_semantics<subcore_parallel>], iteration_bounds = array<i64: 2, 16>, scalar_prefetch = 0 : i64, scratch_operands = 6 : i64, tpu.core_type = #tpu.core_type<sc_vector_subcore>, window_params = [{transform_indices = #map}, {transform_indices = #map1}, {transform_indices = #map}]} {
    %mul3A = arith.constant 2 : i32
    %mul3A_0 = arith.muli %arg1, %mul3A : i32
    %add3A = arith.addi %mul3A_0, %arg0 : i32
    %mul3A_1 = arith.constant 632 : i32
    %mul3A_2 = arith.muli %arg1, %mul3A_1 : i32
    %multiple_of3A = tpu.assume_multiple %mul3A_2, 8 : i32
    %mul3A_3 = arith.constant 80 : i32
    %mul3A_4 = arith.muli %add3A, %mul3A_3 : i32
    %add3A_5 = arith.constant 0 : i32
    %add3A_6 = arith.addi %mul3A_4, %add3A_5 : i32
    %multiple_of3A_7 = tpu.assume_multiple %add3A_6, 8 : i32
    %run_scoped3A = arith.constant 0 : i32
    "tpu.region"() ({
      %run_scoped3A_82 = tpu.sem_alloc : memref<!tpu.dma_semaphore, #tpu.memory_space<semaphore_mem>>
      %dma_start3A_83 = arith.constant 0 : i32
      %dma_start3A_84 = tpu.memref_slice %arg2[%run_scoped3A, %multiple_of3A_7, %dma_start3A_83] : memref<2x2560x128xi32, #tpu.memory_space<hbm>> -> memref<1x40x128xi32, #tpu.memory_space<hbm>>
      %dma_start3A_85 = tpu.memref_squeeze %dma_start3A_84 : memref<1x40x128xi32, #tpu.memory_space<hbm>> -> memref<40x128xi32, #tpu.memory_space<hbm>>
      %dma_start3A_86 = arith.constant 0 : i32
      %dma_start3A_87 = tpu.memref_slice %arg2[%run_scoped3A, %multiple_of3A_7, %dma_start3A_86] : memref<2x2560x128xi32, #tpu.memory_space<hbm>> -> memref<1x40x128xi32, #tpu.memory_space<hbm>>
      %dma_start3A_88 = tpu.memref_squeeze %dma_start3A_87 : memref<1x40x128xi32, #tpu.memory_space<hbm>> -> memref<40x128xi32, #tpu.memory_space<hbm>>
      tpu.enqueue_dma source(%dma_start3A_88 : memref<40x128xi32, #tpu.memory_space<hbm>>) target(%arg6 : memref<40x128xi32, #tpu.memory_space<vmem>>) target_semaphore(%run_scoped3A_82 : memref<!tpu.dma_semaphore, #tpu.memory_space<semaphore_mem>>)
      %dma_wait3A = arith.constant 0 : i32
      %dma_wait3A_89 = tpu.memref_slice %arg2[%run_scoped3A, %multiple_of3A_7, %dma_wait3A] : memref<2x2560x128xi32, #tpu.memory_space<hbm>> -> memref<1x40x128xi32, #tpu.memory_space<hbm>>
      %dma_wait3A_90 = tpu.memref_squeeze %dma_wait3A_89 : memref<1x40x128xi32, #tpu.memory_space<hbm>> -> memref<40x128xi32, #tpu.memory_space<hbm>>
      %dma_wait3A_91 = arith.constant 0 : i32
      %dma_wait3A_92 = tpu.memref_slice %arg2[%run_scoped3A, %multiple_of3A_7, %dma_wait3A_91] : memref<2x2560x128xi32, #tpu.memory_space<hbm>> -> memref<1x40x128xi32, #tpu.memory_space<hbm>>
      %dma_wait3A_93 = tpu.memref_squeeze %dma_wait3A_92 : memref<1x40x128xi32, #tpu.memory_space<hbm>> -> memref<40x128xi32, #tpu.memory_space<hbm>>
      tpu.wait_dma2 semaphore(%run_scoped3A_82 : memref<!tpu.dma_semaphore, #tpu.memory_space<semaphore_mem>>) src(%dma_wait3A_93 : memref<40x128xi32, #tpu.memory_space<hbm>>) dst(%arg6 : memref<40x128xi32, #tpu.memory_space<vmem>>)
      tpu.yield
    }) : () -> ()
    %run_scoped3A_8 = arith.constant 1 : i32
    "tpu.region"() ({
      %run_scoped3A_82 = tpu.sem_alloc : memref<!tpu.dma_semaphore, #tpu.memory_space<semaphore_mem>>
      %dma_start3A_83 = arith.constant 0 : i32
      %dma_start3A_84 = tpu.memref_slice %arg2[%run_scoped3A_8, %multiple_of3A_7, %dma_start3A_83] : memref<2x2560x128xi32, #tpu.memory_space<hbm>> -> memref<1x40x128xi32, #tpu.memory_space<hbm>>
      %dma_start3A_85 = tpu.memref_squeeze %dma_start3A_84 : memref<1x40x128xi32, #tpu.memory_space<hbm>> -> memref<40x128xi32, #tpu.memory_space<hbm>>
      %dma_start3A_86 = arith.constant 0 : i32
      %dma_start3A_87 = tpu.memref_slice %arg2[%run_scoped3A_8, %multiple_of3A_7, %dma_start3A_86] : memref<2x2560x128xi32, #tpu.memory_space<hbm>> -> memref<1x40x128xi32, #tpu.memory_space<hbm>>
      %dma_start3A_88 = tpu.memref_squeeze %dma_start3A_87 : memref<1x40x128xi32, #tpu.memory_space<hbm>> -> memref<40x128xi32, #tpu.memory_space<hbm>>
      tpu.enqueue_dma source(%dma_start3A_88 : memref<40x128xi32, #tpu.memory_space<hbm>>) target(%arg7 : memref<40x128xi32, #tpu.memory_space<vmem>>) target_semaphore(%run_scoped3A_82 : memref<!tpu.dma_semaphore, #tpu.memory_space<semaphore_mem>>)
      %dma_wait3A = arith.constant 0 : i32
      %dma_wait3A_89 = tpu.memref_slice %arg2[%run_scoped3A_8, %multiple_of3A_7, %dma_wait3A] : memref<2x2560x128xi32, #tpu.memory_space<hbm>> -> memref<1x40x128xi32, #tpu.memory_space<hbm>>
      %dma_wait3A_90 = tpu.memref_squeeze %dma_wait3A_89 : memref<1x40x128xi32, #tpu.memory_space<hbm>> -> memref<40x128xi32, #tpu.memory_space<hbm>>
      %dma_wait3A_91 = arith.constant 0 : i32
      %dma_wait3A_92 = tpu.memref_slice %arg2[%run_scoped3A_8, %multiple_of3A_7, %dma_wait3A_91] : memref<2x2560x128xi32, #tpu.memory_space<hbm>> -> memref<1x40x128xi32, #tpu.memory_space<hbm>>
      %dma_wait3A_93 = tpu.memref_squeeze %dma_wait3A_92 : memref<1x40x128xi32, #tpu.memory_space<hbm>> -> memref<40x128xi32, #tpu.memory_space<hbm>>
      tpu.wait_dma2 semaphore(%run_scoped3A_82 : memref<!tpu.dma_semaphore, #tpu.memory_space<semaphore_mem>>) src(%dma_wait3A_93 : memref<40x128xi32, #tpu.memory_space<hbm>>) dst(%arg7 : memref<40x128xi32, #tpu.memory_space<vmem>>)
      tpu.yield
    }) : () -> ()
    %lt3A = arith.constant 15 : i32
    %lt3A_9 = arith.cmpi slt, %arg1, %lt3A : i32
    %convert_element_type3A = arith.extui %lt3A_9 : i1 to i32
    %cond3A = arith.constant 0 : i32
    %cond3A_10 = arith.cmpi ne, %convert_element_type3A, %cond3A : i32
    scf.if %cond3A_10 {
      "tpu.region"() ({
        %run_scoped3A_82 = tpu.sem_alloc : memref<!tpu.dma_semaphore, #tpu.memory_space<semaphore_mem>>
        %dma_start3A_83 = arith.constant 0 : i32
        %dma_start3A_84 = tpu.memref_slice %arg5[%multiple_of3A, %dma_start3A_83] : memref<10112x128xf32, #tpu.memory_space<vmem_shared>> -> memref<632x128xf32, #tpu.memory_space<vmem_shared>>
        %dma_start3A_85 = arith.constant 0 : i32
        %dma_start3A_86 = tpu.memref_slice %arg3[%multiple_of3A, %dma_start3A_85] : memref<10000x128xf32, #tpu.memory_space<hbm>> -> memref<632x128xf32, #tpu.memory_space<hbm>>
        tpu.enqueue_dma source(%dma_start3A_86 : memref<632x128xf32, #tpu.memory_space<hbm>>) target(%dma_start3A_84 : memref<632x128xf32, #tpu.memory_space<vmem_shared>>) target_semaphore(%run_scoped3A_82 : memref<!tpu.dma_semaphore, #tpu.memory_space<semaphore_mem>>)
        %dma_wait3A = arith.constant 0 : i32
        %dma_wait3A_87 = tpu.memref_slice %arg5[%multiple_of3A, %dma_wait3A] : memref<10112x128xf32, #tpu.memory_space<vmem_shared>> -> memref<632x128xf32, #tpu.memory_space<vmem_shared>>
        %dma_wait3A_88 = arith.constant 0 : i32
        %dma_wait3A_89 = tpu.memref_slice %arg3[%multiple_of3A, %dma_wait3A_88] : memref<10000x128xf32, #tpu.memory_space<hbm>> -> memref<632x128xf32, #tpu.memory_space<hbm>>
        tpu.wait_dma2 semaphore(%run_scoped3A_82 : memref<!tpu.dma_semaphore, #tpu.memory_space<semaphore_mem>>) src(%dma_wait3A_89 : memref<632x128xf32, #tpu.memory_space<hbm>>) dst(%dma_wait3A_87 : memref<632x128xf32, #tpu.memory_space<vmem_shared>>)
        tpu.yield
      }) : () -> ()
    } else {
    }
    %eq3A = arith.constant 15 : i32
    %eq3A_11 = arith.cmpi eq, %arg1, %eq3A : i32
    %convert_element_type3A_12 = arith.extui %eq3A_11 : i1 to i32
    %cond3A_13 = arith.constant 0 : i32
    %cond3A_14 = arith.cmpi ne, %convert_element_type3A_12, %cond3A_13 : i32
    scf.if %cond3A_14 {
      "tpu.region"() ({
        %run_scoped3A_82 = tpu.sem_alloc : memref<!tpu.dma_semaphore, #tpu.memory_space<semaphore_mem>>
        %dma_start3A_83 = arith.constant 0 : i32
        %dma_start3A_84 = tpu.memref_slice %arg5[%multiple_of3A, %dma_start3A_83] : memref<10112x128xf32, #tpu.memory_space<vmem_shared>> -> memref<520x128xf32, #tpu.memory_space<vmem_shared>>
        %dma_start3A_85 = arith.constant 0 : i32
        %dma_start3A_86 = tpu.memref_slice %arg3[%multiple_of3A, %dma_start3A_85] : memref<10000x128xf32, #tpu.memory_space<hbm>> -> memref<520x128xf32, #tpu.memory_space<hbm>>
        tpu.enqueue_dma source(%dma_start3A_86 : memref<520x128xf32, #tpu.memory_space<hbm>>) target(%dma_start3A_84 : memref<520x128xf32, #tpu.memory_space<vmem_shared>>) target_semaphore(%run_scoped3A_82 : memref<!tpu.dma_semaphore, #tpu.memory_space<semaphore_mem>>)
        %dma_wait3A = arith.constant 0 : i32
        %dma_wait3A_87 = tpu.memref_slice %arg5[%multiple_of3A, %dma_wait3A] : memref<10112x128xf32, #tpu.memory_space<vmem_shared>> -> memref<520x128xf32, #tpu.memory_space<vmem_shared>>
        %dma_wait3A_88 = arith.constant 0 : i32
        %dma_wait3A_89 = tpu.memref_slice %arg3[%multiple_of3A, %dma_wait3A_88] : memref<10000x128xf32, #tpu.memory_space<hbm>> -> memref<520x128xf32, #tpu.memory_space<hbm>>
        tpu.wait_dma2 semaphore(%run_scoped3A_82 : memref<!tpu.dma_semaphore, #tpu.memory_space<semaphore_mem>>) src(%dma_wait3A_89 : memref<520x128xf32, #tpu.memory_space<hbm>>) dst(%dma_wait3A_87 : memref<520x128xf32, #tpu.memory_space<vmem_shared>>)
        tpu.yield
      }) : () -> ()
    } else {
    }
    %barrier3A = arith.constant 0 : index
    tpu.barrier barrier_id(%barrier3A)
    %dma_start3A = arith.constant 0 : i32
    %dma_start3A_15 = arith.constant 0 : i32
    %dma_start3A_16 = arith.constant 0 : i32
    %dma_start3A_17 = arith.constant 0 : i32
    %dma_start3A_18 = tpu.memref_slice %arg8[%dma_start3A_15, %dma_start3A_16, %dma_start3A_17] : memref<2x128x128xf32, #tpu.memory_space<vmem>> -> memref<1x128x128xf32, #tpu.memory_space<vmem>>
    %dma_start3A_19 = tpu.memref_squeeze %dma_start3A_18 : memref<1x128x128xf32, #tpu.memory_space<vmem>> -> memref<128x128xf32, #tpu.memory_space<vmem>>
    %dma_start3A_20 = arith.constant 0 : i32
    %dma_start3A_21 = tpu.memref_slice %arg6[%dma_start3A, %dma_start3A_20] : memref<40x128xi32, #tpu.memory_space<vmem>> -> memref<1x128xi32, #tpu.memory_space<vmem>>
    %dma_start3A_22 = tpu.memref_squeeze %dma_start3A_21 : memref<1x128xi32, #tpu.memory_space<vmem>> -> memref<128xi32, #tpu.memory_space<vmem>>
    %dma_start3A_23 = arith.constant 0 : i32
    %dma_start3A_24 = arith.constant 0 : i32
    %dma_start3A_25 = tpu.memref_slice %arg3[%dma_start3A_23, %dma_start3A_24] : memref<10000x128xf32, #tpu.memory_space<hbm>> -> memref<10000x128xf32, #tpu.memory_space<hbm>>
    tpu.enqueue_indirect_dma source(%dma_start3A_25 : memref<10000x128xf32, #tpu.memory_space<hbm>>) target(%dma_start3A_19 : memref<128x128xf32, #tpu.memory_space<vmem>>) offsets(%dma_start3A_22 : memref<128xi32, #tpu.memory_space<vmem>>) semaphore(%arg9 : memref<!tpu.dma_semaphore, #tpu.memory_space<semaphore_mem>>)
    %dma_start3A_26 = arith.constant 1 : i32
    %dma_start3A_27 = arith.constant 1 : i32
    %dma_start3A_28 = arith.constant 0 : i32
    %dma_start3A_29 = arith.constant 0 : i32
    %dma_start3A_30 = tpu.memref_slice %arg8[%dma_start3A_27, %dma_start3A_28, %dma_start3A_29] : memref<2x128x128xf32, #tpu.memory_space<vmem>> -> memref<1x128x128xf32, #tpu.memory_space<vmem>>
    %dma_start3A_31 = tpu.memref_squeeze %dma_start3A_30 : memref<1x128x128xf32, #tpu.memory_space<vmem>> -> memref<128x128xf32, #tpu.memory_space<vmem>>
    %dma_start3A_32 = arith.constant 0 : i32
    %dma_start3A_33 = tpu.memref_slice %arg6[%dma_start3A_26, %dma_start3A_32] : memref<40x128xi32, #tpu.memory_space<vmem>> -> memref<1x128xi32, #tpu.memory_space<vmem>>
    %dma_start3A_34 = tpu.memref_squeeze %dma_start3A_33 : memref<1x128xi32, #tpu.memory_space<vmem>> -> memref<128xi32, #tpu.memory_space<vmem>>
    %dma_start3A_35 = arith.constant 0 : i32
    %dma_start3A_36 = arith.constant 0 : i32
    %dma_start3A_37 = tpu.memref_slice %arg3[%dma_start3A_35, %dma_start3A_36] : memref<10000x128xf32, #tpu.memory_space<hbm>> -> memref<10000x128xf32, #tpu.memory_space<hbm>>
    tpu.enqueue_indirect_dma source(%dma_start3A_37 : memref<10000x128xf32, #tpu.memory_space<hbm>>) target(%dma_start3A_31 : memref<128x128xf32, #tpu.memory_space<vmem>>) offsets(%dma_start3A_34 : memref<128xi32, #tpu.memory_space<vmem>>) semaphore(%arg10 : memref<!tpu.dma_semaphore, #tpu.memory_space<semaphore_mem>>)
    %scan3A = arith.constant 0 : i32
    %scan3A_38 = arith.constant 0 : i32
    %scan3A_39 = arith.constant 20 : i32
    %scan3A_40 = arith.addi %scan3A_38, %scan3A_39 : i32
    %scan3A_41 = arith.constant 1 : i32
    scf.for %scan3A_82 = %scan3A_38 to %scan3A_40 step %scan3A_41  : i32 {
      %mul3A_83 = arith.constant 2 : i32
      %mul3A_84 = arith.muli %scan3A_82, %mul3A_83 : i32
      %add3A_85 = arith.constant 0 : i32
      %add3A_86 = arith.addi %mul3A_84, %add3A_85 : i32
      %dma_wait3A = arith.constant 0 : i32
      %dma_wait3A_87 = arith.constant 0 : i32
      %dma_wait3A_88 = arith.constant 0 : i32
      %dma_wait3A_89 = tpu.memref_slice %arg8[%dma_wait3A, %dma_wait3A_87, %dma_wait3A_88] : memref<2x128x128xf32, #tpu.memory_space<vmem>> -> memref<1x128x128xf32, #tpu.memory_space<vmem>>
      %dma_wait3A_90 = tpu.memref_squeeze %dma_wait3A_89 : memref<1x128x128xf32, #tpu.memory_space<vmem>> -> memref<128x128xf32, #tpu.memory_space<vmem>>
      %dma_wait3A_91 = arith.constant 0 : i32
      %dma_wait3A_92 = tpu.memref_slice %arg6[%add3A_86, %dma_wait3A_91] : memref<40x128xi32, #tpu.memory_space<vmem>> -> memref<1x128xi32, #tpu.memory_space<vmem>>
      %dma_wait3A_93 = tpu.memref_squeeze %dma_wait3A_92 : memref<1x128xi32, #tpu.memory_space<vmem>> -> memref<128xi32, #tpu.memory_space<vmem>>
      %dma_wait3A_94 = arith.constant 0 : i32
      %dma_wait3A_95 = arith.constant 0 : i32
      %dma_wait3A_96 = tpu.memref_slice %arg3[%dma_wait3A_94, %dma_wait3A_95] : memref<10000x128xf32, #tpu.memory_space<hbm>> -> memref<10000x128xf32, #tpu.memory_space<hbm>>
      tpu.wait_indirect_dma semaphore(%arg9 : memref<!tpu.dma_semaphore, #tpu.memory_space<semaphore_mem>>) src(%dma_wait3A_96 : memref<10000x128xf32, #tpu.memory_space<hbm>>) dst(%dma_wait3A_90 : memref<128x128xf32, #tpu.memory_space<vmem>>)
      %run_scoped3A_97 = arith.constant 0 : i32
      "tpu.region"() ({
        %run_scoped3A_128 = tpu.sem_alloc : memref<!tpu.dma_semaphore, #tpu.memory_space<semaphore_mem>>
        %dma_start3A_129 = arith.constant 0 : i32
        %dma_start3A_130 = arith.constant 0 : i32
        %dma_start3A_131 = tpu.memref_slice %arg8[%run_scoped3A_97, %dma_start3A_129, %dma_start3A_130] : memref<2x128x128xf32, #tpu.memory_space<vmem>> -> memref<1x128x128xf32, #tpu.memory_space<vmem>>
        %dma_start3A_132 = tpu.memref_squeeze %dma_start3A_131 : memref<1x128x128xf32, #tpu.memory_space<vmem>> -> memref<128x128xf32, #tpu.memory_space<vmem>>
        %dma_start3A_133 = arith.constant 0 : i32
        %dma_start3A_134 = tpu.memref_slice %arg7[%add3A_86, %dma_start3A_133] : memref<40x128xi32, #tpu.memory_space<vmem>> -> memref<1x128xi32, #tpu.memory_space<vmem>>
        %dma_start3A_135 = tpu.memref_squeeze %dma_start3A_134 : memref<1x128xi32, #tpu.memory_space<vmem>> -> memref<128xi32, #tpu.memory_space<vmem>>
        %dma_start3A_136 = arith.constant 0 : i32
        %dma_start3A_137 = arith.constant 0 : i32
        %dma_start3A_138 = tpu.memref_slice %arg5[%dma_start3A_136, %dma_start3A_137] : memref<10112x128xf32, #tpu.memory_space<vmem_shared>> -> memref<10112x128xf32, #tpu.memory_space<vmem_shared>>
        tpu.enqueue_indirect_dma source(%dma_start3A_132 : memref<128x128xf32, #tpu.memory_space<vmem>>) target(%dma_start3A_138 : memref<10112x128xf32, #tpu.memory_space<vmem_shared>>) offsets(%dma_start3A_135 : memref<128xi32, #tpu.memory_space<vmem>>) semaphore(%run_scoped3A_128 : memref<!tpu.dma_semaphore, #tpu.memory_space<semaphore_mem>>) {add = true}
        %dma_wait3A_139 = arith.constant 0 : i32
        %dma_wait3A_140 = arith.constant 0 : i32
        %dma_wait3A_141 = tpu.memref_slice %arg8[%run_scoped3A_97, %dma_wait3A_139, %dma_wait3A_140] : memref<2x128x128xf32, #tpu.memory_space<vmem>> -> memref<1x128x128xf32, #tpu.memory_space<vmem>>
        %dma_wait3A_142 = tpu.memref_squeeze %dma_wait3A_141 : memref<1x128x128xf32, #tpu.memory_space<vmem>> -> memref<128x128xf32, #tpu.memory_space<vmem>>
        %dma_wait3A_143 = arith.constant 0 : i32
        %dma_wait3A_144 = tpu.memref_slice %arg7[%add3A_86, %dma_wait3A_143] : memref<40x128xi32, #tpu.memory_space<vmem>> -> memref<1x128xi32, #tpu.memory_space<vmem>>
        %dma_wait3A_145 = tpu.memref_squeeze %dma_wait3A_144 : memref<1x128xi32, #tpu.memory_space<vmem>> -> memref<128xi32, #tpu.memory_space<vmem>>
        %dma_wait3A_146 = arith.constant 0 : i32
        %dma_wait3A_147 = arith.constant 0 : i32
        %dma_wait3A_148 = tpu.memref_slice %arg5[%dma_wait3A_146, %dma_wait3A_147] : memref<10112x128xf32, #tpu.memory_space<vmem_shared>> -> memref<10112x128xf32, #tpu.memory_space<vmem_shared>>
        tpu.wait_indirect_dma semaphore(%run_scoped3A_128 : memref<!tpu.dma_semaphore, #tpu.memory_space<semaphore_mem>>) src(%dma_wait3A_142 : memref<128x128xf32, #tpu.memory_space<vmem>>) dst(%dma_wait3A_148 : memref<10112x128xf32, #tpu.memory_space<vmem_shared>>)
        tpu.yield
      }) : () -> ()
      %add3A_98 = arith.constant 2 : i32
      %add3A_99 = arith.addi %add3A_86, %add3A_98 : i32
      %lt3A_100 = arith.constant 40 : i32
      %lt3A_101 = arith.cmpi slt, %add3A_99, %lt3A_100 : i32
      %convert_element_type3A_102 = arith.extui %lt3A_101 : i1 to i32
      %cond3A_103 = arith.constant 0 : i32
      %cond3A_104 = arith.cmpi ne, %convert_element_type3A_102, %cond3A_103 : i32
      scf.if %cond3A_104 {
        %add3A_128 = arith.constant 2 : i32
        %add3A_129 = arith.addi %add3A_86, %add3A_128 : i32
        %dma_start3A_130 = arith.constant 0 : i32
        %dma_start3A_131 = arith.constant 0 : i32
        %dma_start3A_132 = arith.constant 0 : i32
        %dma_start3A_133 = tpu.memref_slice %arg8[%dma_start3A_130, %dma_start3A_131, %dma_start3A_132] : memref<2x128x128xf32, #tpu.memory_space<vmem>> -> memref<1x128x128xf32, #tpu.memory_space<vmem>>
        %dma_start3A_134 = tpu.memref_squeeze %dma_start3A_133 : memref<1x128x128xf32, #tpu.memory_space<vmem>> -> memref<128x128xf32, #tpu.memory_space<vmem>>
        %dma_start3A_135 = arith.constant 0 : i32
        %dma_start3A_136 = tpu.memref_slice %arg6[%add3A_129, %dma_start3A_135] : memref<40x128xi32, #tpu.memory_space<vmem>> -> memref<1x128xi32, #tpu.memory_space<vmem>>
        %dma_start3A_137 = tpu.memref_squeeze %dma_start3A_136 : memref<1x128xi32, #tpu.memory_space<vmem>> -> memref<128xi32, #tpu.memory_space<vmem>>
        %dma_start3A_138 = arith.constant 0 : i32
        %dma_start3A_139 = arith.constant 0 : i32
        %dma_start3A_140 = tpu.memref_slice %arg3[%dma_start3A_138, %dma_start3A_139] : memref<10000x128xf32, #tpu.memory_space<hbm>> -> memref<10000x128xf32, #tpu.memory_space<hbm>>
        tpu.enqueue_indirect_dma source(%dma_start3A_140 : memref<10000x128xf32, #tpu.memory_space<hbm>>) target(%dma_start3A_134 : memref<128x128xf32, #tpu.memory_space<vmem>>) offsets(%dma_start3A_137 : memref<128xi32, #tpu.memory_space<vmem>>) semaphore(%arg9 : memref<!tpu.dma_semaphore, #tpu.memory_space<semaphore_mem>>)
      } else {
      }
      %mul3A_105 = arith.constant 2 : i32
      %mul3A_106 = arith.muli %scan3A_82, %mul3A_105 : i32
      %add3A_107 = arith.constant 1 : i32
      %add3A_108 = arith.addi %mul3A_106, %add3A_107 : i32
      %dma_wait3A_109 = arith.constant 1 : i32
      %dma_wait3A_110 = arith.constant 0 : i32
      %dma_wait3A_111 = arith.constant 0 : i32
      %dma_wait3A_112 = tpu.memref_slice %arg8[%dma_wait3A_109, %dma_wait3A_110, %dma_wait3A_111] : memref<2x128x128xf32, #tpu.memory_space<vmem>> -> memref<1x128x128xf32, #tpu.memory_space<vmem>>
      %dma_wait3A_113 = tpu.memref_squeeze %dma_wait3A_112 : memref<1x128x128xf32, #tpu.memory_space<vmem>> -> memref<128x128xf32, #tpu.memory_space<vmem>>
      %dma_wait3A_114 = arith.constant 0 : i32
      %dma_wait3A_115 = tpu.memref_slice %arg6[%add3A_108, %dma_wait3A_114] : memref<40x128xi32, #tpu.memory_space<vmem>> -> memref<1x128xi32, #tpu.memory_space<vmem>>
      %dma_wait3A_116 = tpu.memref_squeeze %dma_wait3A_115 : memref<1x128xi32, #tpu.memory_space<vmem>> -> memref<128xi32, #tpu.memory_space<vmem>>
      %dma_wait3A_117 = arith.constant 0 : i32
      %dma_wait3A_118 = arith.constant 0 : i32
      %dma_wait3A_119 = tpu.memref_slice %arg3[%dma_wait3A_117, %dma_wait3A_118] : memref<10000x128xf32, #tpu.memory_space<hbm>> -> memref<10000x128xf32, #tpu.memory_space<hbm>>
      tpu.wait_indirect_dma semaphore(%arg10 : memref<!tpu.dma_semaphore, #tpu.memory_space<semaphore_mem>>) src(%dma_wait3A_119 : memref<10000x128xf32, #tpu.memory_space<hbm>>) dst(%dma_wait3A_113 : memref<128x128xf32, #tpu.memory_space<vmem>>)
      %run_scoped3A_120 = arith.constant 1 : i32
      "tpu.region"() ({
        %run_scoped3A_128 = tpu.sem_alloc : memref<!tpu.dma_semaphore, #tpu.memory_space<semaphore_mem>>
        %dma_start3A_129 = arith.constant 0 : i32
        %dma_start3A_130 = arith.constant 0 : i32
        %dma_start3A_131 = tpu.memref_slice %arg8[%run_scoped3A_120, %dma_start3A_129, %dma_start3A_130] : memref<2x128x128xf32, #tpu.memory_space<vmem>> -> memref<1x128x128xf32, #tpu.memory_space<vmem>>
        %dma_start3A_132 = tpu.memref_squeeze %dma_start3A_131 : memref<1x128x128xf32, #tpu.memory_space<vmem>> -> memref<128x128xf32, #tpu.memory_space<vmem>>
        %dma_start3A_133 = arith.constant 0 : i32
        %dma_start3A_134 = tpu.memref_slice %arg7[%add3A_108, %dma_start3A_133] : memref<40x128xi32, #tpu.memory_space<vmem>> -> memref<1x128xi32, #tpu.memory_space<vmem>>
        %dma_start3A_135 = tpu.memref_squeeze %dma_start3A_134 : memref<1x128xi32, #tpu.memory_space<vmem>> -> memref<128xi32, #tpu.memory_space<vmem>>
        %dma_start3A_136 = arith.constant 0 : i32
        %dma_start3A_137 = arith.constant 0 : i32
        %dma_start3A_138 = tpu.memref_slice %arg5[%dma_start3A_136, %dma_start3A_137] : memref<10112x128xf32, #tpu.memory_space<vmem_shared>> -> memref<10112x128xf32, #tpu.memory_space<vmem_shared>>
        tpu.enqueue_indirect_dma source(%dma_start3A_132 : memref<128x128xf32, #tpu.memory_space<vmem>>) target(%dma_start3A_138 : memref<10112x128xf32, #tpu.memory_space<vmem_shared>>) offsets(%dma_start3A_135 : memref<128xi32, #tpu.memory_space<vmem>>) semaphore(%run_scoped3A_128 : memref<!tpu.dma_semaphore, #tpu.memory_space<semaphore_mem>>) {add = true}
        %dma_wait3A_139 = arith.constant 0 : i32
        %dma_wait3A_140 = arith.constant 0 : i32
        %dma_wait3A_141 = tpu.memref_slice %arg8[%run_scoped3A_120, %dma_wait3A_139, %dma_wait3A_140] : memref<2x128x128xf32, #tpu.memory_space<vmem>> -> memref<1x128x128xf32, #tpu.memory_space<vmem>>
        %dma_wait3A_142 = tpu.memref_squeeze %dma_wait3A_141 : memref<1x128x128xf32, #tpu.memory_space<vmem>> -> memref<128x128xf32, #tpu.memory_space<vmem>>
        %dma_wait3A_143 = arith.constant 0 : i32
        %dma_wait3A_144 = tpu.memref_slice %arg7[%add3A_108, %dma_wait3A_143] : memref<40x128xi32, #tpu.memory_space<vmem>> -> memref<1x128xi32, #tpu.memory_space<vmem>>
        %dma_wait3A_145 = tpu.memref_squeeze %dma_wait3A_144 : memref<1x128xi32, #tpu.memory_space<vmem>> -> memref<128xi32, #tpu.memory_space<vmem>>
        %dma_wait3A_146 = arith.constant 0 : i32
        %dma_wait3A_147 = arith.constant 0 : i32
        %dma_wait3A_148 = tpu.memref_slice %arg5[%dma_wait3A_146, %dma_wait3A_147] : memref<10112x128xf32, #tpu.memory_space<vmem_shared>> -> memref<10112x128xf32, #tpu.memory_space<vmem_shared>>
        tpu.wait_indirect_dma semaphore(%run_scoped3A_128 : memref<!tpu.dma_semaphore, #tpu.memory_space<semaphore_mem>>) src(%dma_wait3A_142 : memref<128x128xf32, #tpu.memory_space<vmem>>) dst(%dma_wait3A_148 : memref<10112x128xf32, #tpu.memory_space<vmem_shared>>)
        tpu.yield
      }) : () -> ()
      %add3A_121 = arith.constant 2 : i32
      %add3A_122 = arith.addi %add3A_108, %add3A_121 : i32
      %lt3A_123 = arith.constant 40 : i32
      %lt3A_124 = arith.cmpi slt, %add3A_122, %lt3A_123 : i32
      %convert_element_type3A_125 = arith.extui %lt3A_124 : i1 to i32
      %cond3A_126 = arith.constant 0 : i32
      %cond3A_127 = arith.cmpi ne, %convert_element_type3A_125, %cond3A_126 : i32
      scf.if %cond3A_127 {
        %add3A_128 = arith.constant 2 : i32
        %add3A_129 = arith.addi %add3A_108, %add3A_128 : i32
        %dma_start3A_130 = arith.constant 1 : i32
        %dma_start3A_131 = arith.constant 0 : i32
        %dma_start3A_132 = arith.constant 0 : i32
        %dma_start3A_133 = tpu.memref_slice %arg8[%dma_start3A_130, %dma_start3A_131, %dma_start3A_132] : memref<2x128x128xf32, #tpu.memory_space<vmem>> -> memref<1x128x128xf32, #tpu.memory_space<vmem>>
        %dma_start3A_134 = tpu.memref_squeeze %dma_start3A_133 : memref<1x128x128xf32, #tpu.memory_space<vmem>> -> memref<128x128xf32, #tpu.memory_space<vmem>>
        %dma_start3A_135 = arith.constant 0 : i32
        %dma_start3A_136 = tpu.memref_slice %arg6[%add3A_129, %dma_start3A_135] : memref<40x128xi32, #tpu.memory_space<vmem>> -> memref<1x128xi32, #tpu.memory_space<vmem>>
        %dma_start3A_137 = tpu.memref_squeeze %dma_start3A_136 : memref<1x128xi32, #tpu.memory_space<vmem>> -> memref<128xi32, #tpu.memory_space<vmem>>
        %dma_start3A_138 = arith.constant 0 : i32
        %dma_start3A_139 = arith.constant 0 : i32
        %dma_start3A_140 = tpu.memref_slice %arg3[%dma_start3A_138, %dma_start3A_139] : memref<10000x128xf32, #tpu.memory_space<hbm>> -> memref<10000x128xf32, #tpu.memory_space<hbm>>
        tpu.enqueue_indirect_dma source(%dma_start3A_140 : memref<10000x128xf32, #tpu.memory_space<hbm>>) target(%dma_start3A_134 : memref<128x128xf32, #tpu.memory_space<vmem>>) offsets(%dma_start3A_137 : memref<128xi32, #tpu.memory_space<vmem>>) semaphore(%arg10 : memref<!tpu.dma_semaphore, #tpu.memory_space<semaphore_mem>>)
      } else {
      }
    }
    %scan3A_42 = arith.constant 20 : i32
    %mul3A_43 = arith.constant 80 : i32
    %mul3A_44 = arith.muli %add3A, %mul3A_43 : i32
    %add3A_45 = arith.constant 40 : i32
    %add3A_46 = arith.addi %mul3A_44, %add3A_45 : i32
    %multiple_of3A_47 = tpu.assume_multiple %add3A_46, 8 : i32
    %run_scoped3A_48 = arith.constant 0 : i32
    "tpu.region"() ({
      %run_scoped3A_82 = tpu.sem_alloc : memref<!tpu.dma_semaphore, #tpu.memory_space<semaphore_mem>>
      %dma_start3A_83 = arith.constant 0 : i32
      %dma_start3A_84 = tpu.memref_slice %arg2[%run_scoped3A_48, %multiple_of3A_47, %dma_start3A_83] : memref<2x2560x128xi32, #tpu.memory_space<hbm>> -> memref<1x40x128xi32, #tpu.memory_space<hbm>>
      %dma_start3A_85 = tpu.memref_squeeze %dma_start3A_84 : memref<1x40x128xi32, #tpu.memory_space<hbm>> -> memref<40x128xi32, #tpu.memory_space<hbm>>
      %dma_start3A_86 = arith.constant 0 : i32
      %dma_start3A_87 = tpu.memref_slice %arg2[%run_scoped3A_48, %multiple_of3A_47, %dma_start3A_86] : memref<2x2560x128xi32, #tpu.memory_space<hbm>> -> memref<1x40x128xi32, #tpu.memory_space<hbm>>
      %dma_start3A_88 = tpu.memref_squeeze %dma_start3A_87 : memref<1x40x128xi32, #tpu.memory_space<hbm>> -> memref<40x128xi32, #tpu.memory_space<hbm>>
      tpu.enqueue_dma source(%dma_start3A_88 : memref<40x128xi32, #tpu.memory_space<hbm>>) target(%arg6 : memref<40x128xi32, #tpu.memory_space<vmem>>) target_semaphore(%run_scoped3A_82 : memref<!tpu.dma_semaphore, #tpu.memory_space<semaphore_mem>>)
      %dma_wait3A = arith.constant 0 : i32
      %dma_wait3A_89 = tpu.memref_slice %arg2[%run_scoped3A_48, %multiple_of3A_47, %dma_wait3A] : memref<2x2560x128xi32, #tpu.memory_space<hbm>> -> memref<1x40x128xi32, #tpu.memory_space<hbm>>
      %dma_wait3A_90 = tpu.memref_squeeze %dma_wait3A_89 : memref<1x40x128xi32, #tpu.memory_space<hbm>> -> memref<40x128xi32, #tpu.memory_space<hbm>>
      %dma_wait3A_91 = arith.constant 0 : i32
      %dma_wait3A_92 = tpu.memref_slice %arg2[%run_scoped3A_48, %multiple_of3A_47, %dma_wait3A_91] : memref<2x2560x128xi32, #tpu.memory_space<hbm>> -> memref<1x40x128xi32, #tpu.memory_space<hbm>>
      %dma_wait3A_93 = tpu.memref_squeeze %dma_wait3A_92 : memref<1x40x128xi32, #tpu.memory_space<hbm>> -> memref<40x128xi32, #tpu.memory_space<hbm>>
      tpu.wait_dma2 semaphore(%run_scoped3A_82 : memref<!tpu.dma_semaphore, #tpu.memory_space<semaphore_mem>>) src(%dma_wait3A_93 : memref<40x128xi32, #tpu.memory_space<hbm>>) dst(%arg6 : memref<40x128xi32, #tpu.memory_space<vmem>>)
      tpu.yield
    }) : () -> ()
    %run_scoped3A_49 = arith.constant 1 : i32
    "tpu.region"() ({
      %run_scoped3A_82 = tpu.sem_alloc : memref<!tpu.dma_semaphore, #tpu.memory_space<semaphore_mem>>
      %dma_start3A_83 = arith.constant 0 : i32
      %dma_start3A_84 = tpu.memref_slice %arg2[%run_scoped3A_49, %multiple_of3A_47, %dma_start3A_83] : memref<2x2560x128xi32, #tpu.memory_space<hbm>> -> memref<1x40x128xi32, #tpu.memory_space<hbm>>
      %dma_start3A_85 = tpu.memref_squeeze %dma_start3A_84 : memref<1x40x128xi32, #tpu.memory_space<hbm>> -> memref<40x128xi32, #tpu.memory_space<hbm>>
      %dma_start3A_86 = arith.constant 0 : i32
      %dma_start3A_87 = tpu.memref_slice %arg2[%run_scoped3A_49, %multiple_of3A_47, %dma_start3A_86] : memref<2x2560x128xi32, #tpu.memory_space<hbm>> -> memref<1x40x128xi32, #tpu.memory_space<hbm>>
      %dma_start3A_88 = tpu.memref_squeeze %dma_start3A_87 : memref<1x40x128xi32, #tpu.memory_space<hbm>> -> memref<40x128xi32, #tpu.memory_space<hbm>>
      tpu.enqueue_dma source(%dma_start3A_88 : memref<40x128xi32, #tpu.memory_space<hbm>>) target(%arg7 : memref<40x128xi32, #tpu.memory_space<vmem>>) target_semaphore(%run_scoped3A_82 : memref<!tpu.dma_semaphore, #tpu.memory_space<semaphore_mem>>)
      %dma_wait3A = arith.constant 0 : i32
      %dma_wait3A_89 = tpu.memref_slice %arg2[%run_scoped3A_49, %multiple_of3A_47, %dma_wait3A] : memref<2x2560x128xi32, #tpu.memory_space<hbm>> -> memref<1x40x128xi32, #tpu.memory_space<hbm>>
      %dma_wait3A_90 = tpu.memref_squeeze %dma_wait3A_89 : memref<1x40x128xi32, #tpu.memory_space<hbm>> -> memref<40x128xi32, #tpu.memory_space<hbm>>
      %dma_wait3A_91 = arith.constant 0 : i32
      %dma_wait3A_92 = tpu.memref_slice %arg2[%run_scoped3A_49, %multiple_of3A_47, %dma_wait3A_91] : memref<2x2560x128xi32, #tpu.memory_space<hbm>> -> memref<1x40x128xi32, #tpu.memory_space<hbm>>
      %dma_wait3A_93 = tpu.memref_squeeze %dma_wait3A_92 : memref<1x40x128xi32, #tpu.memory_space<hbm>> -> memref<40x128xi32, #tpu.memory_space<hbm>>
      tpu.wait_dma2 semaphore(%run_scoped3A_82 : memref<!tpu.dma_semaphore, #tpu.memory_space<semaphore_mem>>) src(%dma_wait3A_93 : memref<40x128xi32, #tpu.memory_space<hbm>>) dst(%arg7 : memref<40x128xi32, #tpu.memory_space<vmem>>)
      tpu.yield
    }) : () -> ()
    %dma_start3A_50 = arith.constant 0 : i32
    %dma_start3A_51 = arith.constant 0 : i32
    %dma_start3A_52 = arith.constant 0 : i32
    %dma_start3A_53 = arith.constant 0 : i32
    %dma_start3A_54 = tpu.memref_slice %arg8[%dma_start3A_51, %dma_start3A_52, %dma_start3A_53] : memref<2x128x128xf32, #tpu.memory_space<vmem>> -> memref<1x128x128xf32, #tpu.memory_space<vmem>>
    %dma_start3A_55 = tpu.memref_squeeze %dma_start3A_54 : memref<1x128x128xf32, #tpu.memory_space<vmem>> -> memref<128x128xf32, #tpu.memory_space<vmem>>
    %dma_start3A_56 = arith.constant 0 : i32
    %dma_start3A_57 = tpu.memref_slice %arg6[%dma_start3A_50, %dma_start3A_56] : memref<40x128xi32, #tpu.memory_space<vmem>> -> memref<1x128xi32, #tpu.memory_space<vmem>>
    %dma_start3A_58 = tpu.memref_squeeze %dma_start3A_57 : memref<1x128xi32, #tpu.memory_space<vmem>> -> memref<128xi32, #tpu.memory_space<vmem>>
    %dma_start3A_59 = arith.constant 0 : i32
    %dma_start3A_60 = arith.constant 0 : i32
    %dma_start3A_61 = tpu.memref_slice %arg3[%dma_start3A_59, %dma_start3A_60] : memref<10000x128xf32, #tpu.memory_space<hbm>> -> memref<10000x128xf32, #tpu.memory_space<hbm>>
    tpu.enqueue_indirect_dma source(%dma_start3A_61 : memref<10000x128xf32, #tpu.memory_space<hbm>>) target(%dma_start3A_55 : memref<128x128xf32, #tpu.memory_space<vmem>>) offsets(%dma_start3A_58 : memref<128xi32, #tpu.memory_space<vmem>>) semaphore(%arg9 : memref<!tpu.dma_semaphore, #tpu.memory_space<semaphore_mem>>)
    %dma_start3A_62 = arith.constant 1 : i32
    %dma_start3A_63 = arith.constant 1 : i32
    %dma_start3A_64 = arith.constant 0 : i32
    %dma_start3A_65 = arith.constant 0 : i32
    %dma_start3A_66 = tpu.memref_slice %arg8[%dma_start3A_63, %dma_start3A_64, %dma_start3A_65] : memref<2x128x128xf32, #tpu.memory_space<vmem>> -> memref<1x128x128xf32, #tpu.memory_space<vmem>>
    %dma_start3A_67 = tpu.memref_squeeze %dma_start3A_66 : memref<1x128x128xf32, #tpu.memory_space<vmem>> -> memref<128x128xf32, #tpu.memory_space<vmem>>
    %dma_start3A_68 = arith.constant 0 : i32
    %dma_start3A_69 = tpu.memref_slice %arg6[%dma_start3A_62, %dma_start3A_68] : memref<40x128xi32, #tpu.memory_space<vmem>> -> memref<1x128xi32, #tpu.memory_space<vmem>>
    %dma_start3A_70 = tpu.memref_squeeze %dma_start3A_69 : memref<1x128xi32, #tpu.memory_space<vmem>> -> memref<128xi32, #tpu.memory_space<vmem>>
    %dma_start3A_71 = arith.constant 0 : i32
    %dma_start3A_72 = arith.constant 0 : i32
    %dma_start3A_73 = tpu.memref_slice %arg3[%dma_start3A_71, %dma_start3A_72] : memref<10000x128xf32, #tpu.memory_space<hbm>> -> memref<10000x128xf32, #tpu.memory_space<hbm>>
    tpu.enqueue_indirect_dma source(%dma_start3A_73 : memref<10000x128xf32, #tpu.memory_space<hbm>>) target(%dma_start3A_67 : memref<128x128xf32, #tpu.memory_space<vmem>>) offsets(%dma_start3A_70 : memref<128xi32, #tpu.memory_space<vmem>>) semaphore(%arg10 : memref<!tpu.dma_semaphore, #tpu.memory_space<semaphore_mem>>)
    %scan3A_74 = arith.constant 0 : i32
    %scan3A_75 = arith.constant 0 : i32
    %scan3A_76 = arith.constant 20 : i32
    %scan3A_77 = arith.addi %scan3A_75, %scan3A_76 : i32
    %scan3A_78 = arith.constant 1 : i32
    scf.for %scan3A_82 = %scan3A_75 to %scan3A_77 step %scan3A_78  : i32 {
      %mul3A_83 = arith.constant 2 : i32
      %mul3A_84 = arith.muli %scan3A_82, %mul3A_83 : i32
      %add3A_85 = arith.constant 0 : i32
      %add3A_86 = arith.addi %mul3A_84, %add3A_85 : i32
      %dma_wait3A = arith.constant 0 : i32
      %dma_wait3A_87 = arith.constant 0 : i32
      %dma_wait3A_88 = arith.constant 0 : i32
      %dma_wait3A_89 = tpu.memref_slice %arg8[%dma_wait3A, %dma_wait3A_87, %dma_wait3A_88] : memref<2x128x128xf32, #tpu.memory_space<vmem>> -> memref<1x128x128xf32, #tpu.memory_space<vmem>>
      %dma_wait3A_90 = tpu.memref_squeeze %dma_wait3A_89 : memref<1x128x128xf32, #tpu.memory_space<vmem>> -> memref<128x128xf32, #tpu.memory_space<vmem>>
      %dma_wait3A_91 = arith.constant 0 : i32
      %dma_wait3A_92 = tpu.memref_slice %arg6[%add3A_86, %dma_wait3A_91] : memref<40x128xi32, #tpu.memory_space<vmem>> -> memref<1x128xi32, #tpu.memory_space<vmem>>
      %dma_wait3A_93 = tpu.memref_squeeze %dma_wait3A_92 : memref<1x128xi32, #tpu.memory_space<vmem>> -> memref<128xi32, #tpu.memory_space<vmem>>
      %dma_wait3A_94 = arith.constant 0 : i32
      %dma_wait3A_95 = arith.constant 0 : i32
      %dma_wait3A_96 = tpu.memref_slice %arg3[%dma_wait3A_94, %dma_wait3A_95] : memref<10000x128xf32, #tpu.memory_space<hbm>> -> memref<10000x128xf32, #tpu.memory_space<hbm>>
      tpu.wait_indirect_dma semaphore(%arg9 : memref<!tpu.dma_semaphore, #tpu.memory_space<semaphore_mem>>) src(%dma_wait3A_96 : memref<10000x128xf32, #tpu.memory_space<hbm>>) dst(%dma_wait3A_90 : memref<128x128xf32, #tpu.memory_space<vmem>>)
      %run_scoped3A_97 = arith.constant 0 : i32
      "tpu.region"() ({
        %run_scoped3A_128 = tpu.sem_alloc : memref<!tpu.dma_semaphore, #tpu.memory_space<semaphore_mem>>
        %dma_start3A_129 = arith.constant 0 : i32
        %dma_start3A_130 = arith.constant 0 : i32
        %dma_start3A_131 = tpu.memref_slice %arg8[%run_scoped3A_97, %dma_start3A_129, %dma_start3A_130] : memref<2x128x128xf32, #tpu.memory_space<vmem>> -> memref<1x128x128xf32, #tpu.memory_space<vmem>>
        %dma_start3A_132 = tpu.memref_squeeze %dma_start3A_131 : memref<1x128x128xf32, #tpu.memory_space<vmem>> -> memref<128x128xf32, #tpu.memory_space<vmem>>
        %dma_start3A_133 = arith.constant 0 : i32
        %dma_start3A_134 = tpu.memref_slice %arg7[%add3A_86, %dma_start3A_133] : memref<40x128xi32, #tpu.memory_space<vmem>> -> memref<1x128xi32, #tpu.memory_space<vmem>>
        %dma_start3A_135 = tpu.memref_squeeze %dma_start3A_134 : memref<1x128xi32, #tpu.memory_space<vmem>> -> memref<128xi32, #tpu.memory_space<vmem>>
        %dma_start3A_136 = arith.constant 0 : i32
        %dma_start3A_137 = arith.constant 0 : i32
        %dma_start3A_138 = tpu.memref_slice %arg5[%dma_start3A_136, %dma_start3A_137] : memref<10112x128xf32, #tpu.memory_space<vmem_shared>> -> memref<10112x128xf32, #tpu.memory_space<vmem_shared>>
        tpu.enqueue_indirect_dma source(%dma_start3A_132 : memref<128x128xf32, #tpu.memory_space<vmem>>) target(%dma_start3A_138 : memref<10112x128xf32, #tpu.memory_space<vmem_shared>>) offsets(%dma_start3A_135 : memref<128xi32, #tpu.memory_space<vmem>>) semaphore(%run_scoped3A_128 : memref<!tpu.dma_semaphore, #tpu.memory_space<semaphore_mem>>) {add = true}
        %dma_wait3A_139 = arith.constant 0 : i32
        %dma_wait3A_140 = arith.constant 0 : i32
        %dma_wait3A_141 = tpu.memref_slice %arg8[%run_scoped3A_97, %dma_wait3A_139, %dma_wait3A_140] : memref<2x128x128xf32, #tpu.memory_space<vmem>> -> memref<1x128x128xf32, #tpu.memory_space<vmem>>
        %dma_wait3A_142 = tpu.memref_squeeze %dma_wait3A_141 : memref<1x128x128xf32, #tpu.memory_space<vmem>> -> memref<128x128xf32, #tpu.memory_space<vmem>>
        %dma_wait3A_143 = arith.constant 0 : i32
        %dma_wait3A_144 = tpu.memref_slice %arg7[%add3A_86, %dma_wait3A_143] : memref<40x128xi32, #tpu.memory_space<vmem>> -> memref<1x128xi32, #tpu.memory_space<vmem>>
        %dma_wait3A_145 = tpu.memref_squeeze %dma_wait3A_144 : memref<1x128xi32, #tpu.memory_space<vmem>> -> memref<128xi32, #tpu.memory_space<vmem>>
        %dma_wait3A_146 = arith.constant 0 : i32
        %dma_wait3A_147 = arith.constant 0 : i32
        %dma_wait3A_148 = tpu.memref_slice %arg5[%dma_wait3A_146, %dma_wait3A_147] : memref<10112x128xf32, #tpu.memory_space<vmem_shared>> -> memref<10112x128xf32, #tpu.memory_space<vmem_shared>>
        tpu.wait_indirect_dma semaphore(%run_scoped3A_128 : memref<!tpu.dma_semaphore, #tpu.memory_space<semaphore_mem>>) src(%dma_wait3A_142 : memref<128x128xf32, #tpu.memory_space<vmem>>) dst(%dma_wait3A_148 : memref<10112x128xf32, #tpu.memory_space<vmem_shared>>)
        tpu.yield
      }) : () -> ()
      %add3A_98 = arith.constant 2 : i32
      %add3A_99 = arith.addi %add3A_86, %add3A_98 : i32
      %lt3A_100 = arith.constant 40 : i32
      %lt3A_101 = arith.cmpi slt, %add3A_99, %lt3A_100 : i32
      %convert_element_type3A_102 = arith.extui %lt3A_101 : i1 to i32
      %cond3A_103 = arith.constant 0 : i32
      %cond3A_104 = arith.cmpi ne, %convert_element_type3A_102, %cond3A_103 : i32
      scf.if %cond3A_104 {
        %add3A_128 = arith.constant 2 : i32
        %add3A_129 = arith.addi %add3A_86, %add3A_128 : i32
        %dma_start3A_130 = arith.constant 0 : i32
        %dma_start3A_131 = arith.constant 0 : i32
        %dma_start3A_132 = arith.constant 0 : i32
        %dma_start3A_133 = tpu.memref_slice %arg8[%dma_start3A_130, %dma_start3A_131, %dma_start3A_132] : memref<2x128x128xf32, #tpu.memory_space<vmem>> -> memref<1x128x128xf32, #tpu.memory_space<vmem>>
        %dma_start3A_134 = tpu.memref_squeeze %dma_start3A_133 : memref<1x128x128xf32, #tpu.memory_space<vmem>> -> memref<128x128xf32, #tpu.memory_space<vmem>>
        %dma_start3A_135 = arith.constant 0 : i32
        %dma_start3A_136 = tpu.memref_slice %arg6[%add3A_129, %dma_start3A_135] : memref<40x128xi32, #tpu.memory_space<vmem>> -> memref<1x128xi32, #tpu.memory_space<vmem>>
        %dma_start3A_137 = tpu.memref_squeeze %dma_start3A_136 : memref<1x128xi32, #tpu.memory_space<vmem>> -> memref<128xi32, #tpu.memory_space<vmem>>
        %dma_start3A_138 = arith.constant 0 : i32
        %dma_start3A_139 = arith.constant 0 : i32
        %dma_start3A_140 = tpu.memref_slice %arg3[%dma_start3A_138, %dma_start3A_139] : memref<10000x128xf32, #tpu.memory_space<hbm>> -> memref<10000x128xf32, #tpu.memory_space<hbm>>
        tpu.enqueue_indirect_dma source(%dma_start3A_140 : memref<10000x128xf32, #tpu.memory_space<hbm>>) target(%dma_start3A_134 : memref<128x128xf32, #tpu.memory_space<vmem>>) offsets(%dma_start3A_137 : memref<128xi32, #tpu.memory_space<vmem>>) semaphore(%arg9 : memref<!tpu.dma_semaphore, #tpu.memory_space<semaphore_mem>>)
      } else {
      }
      %mul3A_105 = arith.constant 2 : i32
      %mul3A_106 = arith.muli %scan3A_82, %mul3A_105 : i32
      %add3A_107 = arith.constant 1 : i32
      %add3A_108 = arith.addi %mul3A_106, %add3A_107 : i32
      %dma_wait3A_109 = arith.constant 1 : i32
      %dma_wait3A_110 = arith.constant 0 : i32
      %dma_wait3A_111 = arith.constant 0 : i32
      %dma_wait3A_112 = tpu.memref_slice %arg8[%dma_wait3A_109, %dma_wait3A_110, %dma_wait3A_111] : memref<2x128x128xf32, #tpu.memory_space<vmem>> -> memref<1x128x128xf32, #tpu.memory_space<vmem>>
      %dma_wait3A_113 = tpu.memref_squeeze %dma_wait3A_112 : memref<1x128x128xf32, #tpu.memory_space<vmem>> -> memref<128x128xf32, #tpu.memory_space<vmem>>
      %dma_wait3A_114 = arith.constant 0 : i32
      %dma_wait3A_115 = tpu.memref_slice %arg6[%add3A_108, %dma_wait3A_114] : memref<40x128xi32, #tpu.memory_space<vmem>> -> memref<1x128xi32, #tpu.memory_space<vmem>>
      %dma_wait3A_116 = tpu.memref_squeeze %dma_wait3A_115 : memref<1x128xi32, #tpu.memory_space<vmem>> -> memref<128xi32, #tpu.memory_space<vmem>>
      %dma_wait3A_117 = arith.constant 0 : i32
      %dma_wait3A_118 = arith.constant 0 : i32
      %dma_wait3A_119 = tpu.memref_slice %arg3[%dma_wait3A_117, %dma_wait3A_118] : memref<10000x128xf32, #tpu.memory_space<hbm>> -> memref<10000x128xf32, #tpu.memory_space<hbm>>
      tpu.wait_indirect_dma semaphore(%arg10 : memref<!tpu.dma_semaphore, #tpu.memory_space<semaphore_mem>>) src(%dma_wait3A_119 : memref<10000x128xf32, #tpu.memory_space<hbm>>) dst(%dma_wait3A_113 : memref<128x128xf32, #tpu.memory_space<vmem>>)
      %run_scoped3A_120 = arith.constant 1 : i32
      "tpu.region"() ({
        %run_scoped3A_128 = tpu.sem_alloc : memref<!tpu.dma_semaphore, #tpu.memory_space<semaphore_mem>>
        %dma_start3A_129 = arith.constant 0 : i32
        %dma_start3A_130 = arith.constant 0 : i32
        %dma_start3A_131 = tpu.memref_slice %arg8[%run_scoped3A_120, %dma_start3A_129, %dma_start3A_130] : memref<2x128x128xf32, #tpu.memory_space<vmem>> -> memref<1x128x128xf32, #tpu.memory_space<vmem>>
        %dma_start3A_132 = tpu.memref_squeeze %dma_start3A_131 : memref<1x128x128xf32, #tpu.memory_space<vmem>> -> memref<128x128xf32, #tpu.memory_space<vmem>>
        %dma_start3A_133 = arith.constant 0 : i32
        %dma_start3A_134 = tpu.memref_slice %arg7[%add3A_108, %dma_start3A_133] : memref<40x128xi32, #tpu.memory_space<vmem>> -> memref<1x128xi32, #tpu.memory_space<vmem>>
        %dma_start3A_135 = tpu.memref_squeeze %dma_start3A_134 : memref<1x128xi32, #tpu.memory_space<vmem>> -> memref<128xi32, #tpu.memory_space<vmem>>
        %dma_start3A_136 = arith.constant 0 : i32
        %dma_start3A_137 = arith.constant 0 : i32
        %dma_start3A_138 = tpu.memref_slice %arg5[%dma_start3A_136, %dma_start3A_137] : memref<10112x128xf32, #tpu.memory_space<vmem_shared>> -> memref<10112x128xf32, #tpu.memory_space<vmem_shared>>
        tpu.enqueue_indirect_dma source(%dma_start3A_132 : memref<128x128xf32, #tpu.memory_space<vmem>>) target(%dma_start3A_138 : memref<10112x128xf32, #tpu.memory_space<vmem_shared>>) offsets(%dma_start3A_135 : memref<128xi32, #tpu.memory_space<vmem>>) semaphore(%run_scoped3A_128 : memref<!tpu.dma_semaphore, #tpu.memory_space<semaphore_mem>>) {add = true}
        %dma_wait3A_139 = arith.constant 0 : i32
        %dma_wait3A_140 = arith.constant 0 : i32
        %dma_wait3A_141 = tpu.memref_slice %arg8[%run_scoped3A_120, %dma_wait3A_139, %dma_wait3A_140] : memref<2x128x128xf32, #tpu.memory_space<vmem>> -> memref<1x128x128xf32, #tpu.memory_space<vmem>>
        %dma_wait3A_142 = tpu.memref_squeeze %dma_wait3A_141 : memref<1x128x128xf32, #tpu.memory_space<vmem>> -> memref<128x128xf32, #tpu.memory_space<vmem>>
        %dma_wait3A_143 = arith.constant 0 : i32
        %dma_wait3A_144 = tpu.memref_slice %arg7[%add3A_108, %dma_wait3A_143] : memref<40x128xi32, #tpu.memory_space<vmem>> -> memref<1x128xi32, #tpu.memory_space<vmem>>
        %dma_wait3A_145 = tpu.memref_squeeze %dma_wait3A_144 : memref<1x128xi32, #tpu.memory_space<vmem>> -> memref<128xi32, #tpu.memory_space<vmem>>
        %dma_wait3A_146 = arith.constant 0 : i32
        %dma_wait3A_147 = arith.constant 0 : i32
        %dma_wait3A_148 = tpu.memref_slice %arg5[%dma_wait3A_146, %dma_wait3A_147] : memref<10112x128xf32, #tpu.memory_space<vmem_shared>> -> memref<10112x128xf32, #tpu.memory_space<vmem_shared>>
        tpu.wait_indirect_dma semaphore(%run_scoped3A_128 : memref<!tpu.dma_semaphore, #tpu.memory_space<semaphore_mem>>) src(%dma_wait3A_142 : memref<128x128xf32, #tpu.memory_space<vmem>>) dst(%dma_wait3A_148 : memref<10112x128xf32, #tpu.memory_space<vmem_shared>>)
        tpu.yield
      }) : () -> ()
      %add3A_121 = arith.constant 2 : i32
      %add3A_122 = arith.addi %add3A_108, %add3A_121 : i32
      %lt3A_123 = arith.constant 40 : i32
      %lt3A_124 = arith.cmpi slt, %add3A_122, %lt3A_123 : i32
      %convert_element_type3A_125 = arith.extui %lt3A_124 : i1 to i32
      %cond3A_126 = arith.constant 0 : i32
      %cond3A_127 = arith.cmpi ne, %convert_element_type3A_125, %cond3A_126 : i32
      scf.if %cond3A_127 {
        %add3A_128 = arith.constant 2 : i32
        %add3A_129 = arith.addi %add3A_108, %add3A_128 : i32
        %dma_start3A_130 = arith.constant 1 : i32
        %dma_start3A_131 = arith.constant 0 : i32
        %dma_start3A_132 = arith.constant 0 : i32
        %dma_start3A_133 = tpu.memref_slice %arg8[%dma_start3A_130, %dma_start3A_131, %dma_start3A_132] : memref<2x128x128xf32, #tpu.memory_space<vmem>> -> memref<1x128x128xf32, #tpu.memory_space<vmem>>
        %dma_start3A_134 = tpu.memref_squeeze %dma_start3A_133 : memref<1x128x128xf32, #tpu.memory_space<vmem>> -> memref<128x128xf32, #tpu.memory_space<vmem>>
        %dma_start3A_135 = arith.constant 0 : i32
        %dma_start3A_136 = tpu.memref_slice %arg6[%add3A_129, %dma_start3A_135] : memref<40x128xi32, #tpu.memory_space<vmem>> -> memref<1x128xi32, #tpu.memory_space<vmem>>
        %dma_start3A_137 = tpu.memref_squeeze %dma_start3A_136 : memref<1x128xi32, #tpu.memory_space<vmem>> -> memref<128xi32, #tpu.memory_space<vmem>>
        %dma_start3A_138 = arith.constant 0 : i32
        %dma_start3A_139 = arith.constant 0 : i32
        %dma_start3A_140 = tpu.memref_slice %arg3[%dma_start3A_138, %dma_start3A_139] : memref<10000x128xf32, #tpu.memory_space<hbm>> -> memref<10000x128xf32, #tpu.memory_space<hbm>>
        tpu.enqueue_indirect_dma source(%dma_start3A_140 : memref<10000x128xf32, #tpu.memory_space<hbm>>) target(%dma_start3A_134 : memref<128x128xf32, #tpu.memory_space<vmem>>) offsets(%dma_start3A_137 : memref<128xi32, #tpu.memory_space<vmem>>) semaphore(%arg10 : memref<!tpu.dma_semaphore, #tpu.memory_space<semaphore_mem>>)
      } else {
      }
    }
    %scan3A_79 = arith.constant 20 : i32
    %barrier3A_80 = arith.constant 0 : index
    tpu.barrier barrier_id(%barrier3A_80)
    %barrier3A_81 = arith.constant 0 : index
    tpu.barrier barrier_id(%barrier3A_81)
    "tpu.region"() ({
      %run_scoped3A_82 = tpu.sem_alloc : memref<!tpu.dma_semaphore, #tpu.memory_space<semaphore_mem>>
      %dma_start3A_83 = arith.constant 0 : i32
      %dma_start3A_84 = tpu.memref_slice %arg4[%arg0, %multiple_of3A, %dma_start3A_83] : memref<2x10112x128xf32, #tpu.memory_space<hbm>> -> memref<1x632x128xf32, #tpu.memory_space<hbm>>
      %dma_start3A_85 = tpu.memref_squeeze %dma_start3A_84 : memref<1x632x128xf32, #tpu.memory_space<hbm>> -> memref<632x128xf32, #tpu.memory_space<hbm>>
      %dma_start3A_86 = arith.constant 0 : i32
      %dma_start3A_87 = tpu.memref_slice %arg5[%multiple_of3A, %dma_start3A_86] : memref<10112x128xf32, #tpu.memory_space<vmem_shared>> -> memref<632x128xf32, #tpu.memory_space<vmem_shared>>
      tpu.enqueue_dma source(%dma_start3A_87 : memref<632x128xf32, #tpu.memory_space<vmem_shared>>) target(%dma_start3A_85 : memref<632x128xf32, #tpu.memory_space<hbm>>) target_semaphore(%run_scoped3A_82 : memref<!tpu.dma_semaphore, #tpu.memory_space<semaphore_mem>>)
      %dma_wait3A = arith.constant 0 : i32
      %dma_wait3A_88 = tpu.memref_slice %arg4[%arg0, %multiple_of3A, %dma_wait3A] : memref<2x10112x128xf32, #tpu.memory_space<hbm>> -> memref<1x632x128xf32, #tpu.memory_space<hbm>>
      %dma_wait3A_89 = tpu.memref_squeeze %dma_wait3A_88 : memref<1x632x128xf32, #tpu.memory_space<hbm>> -> memref<632x128xf32, #tpu.memory_space<hbm>>
      %dma_wait3A_90 = arith.constant 0 : i32
      %dma_wait3A_91 = tpu.memref_slice %arg5[%multiple_of3A, %dma_wait3A_90] : memref<10112x128xf32, #tpu.memory_space<vmem_shared>> -> memref<632x128xf32, #tpu.memory_space<vmem_shared>>
      tpu.wait_dma2 semaphore(%run_scoped3A_82 : memref<!tpu.dma_semaphore, #tpu.memory_space<semaphore_mem>>) src(%dma_wait3A_91 : memref<632x128xf32, #tpu.memory_space<vmem_shared>>) dst(%dma_wait3A_89 : memref<632x128xf32, #tpu.memory_space<hbm>>)
      tpu.yield
    }) : () -> ()
    return
  }
}

module attributes {stable_mosaic.version = 14 : i64} {
  func.func @_tc_matmul_body(%arg0: i32, %arg1: memref<1x3392x128xf32, #tpu.memory_space<vmem>>, %arg2: memref<1x3392x128xf32, #tpu.memory_space<vmem>>, %arg3: memref<3392x128xf32, #tpu.memory_space<vmem>>, %arg4: memref<128x128xf32, #tpu.memory_space<vmem>>, %arg5: memref<1x128xf32, #tpu.memory_space<vmem>>, %arg6: memref<3392x128xf32, #tpu.memory_space<vmem>>) attributes {dimension_semantics = [#tpu.dimension_semantics<arbitrary>], iteration_bounds = array<i64: 3>, scalar_prefetch = 0 : i64, scratch_operands = 0 : i64, tpu.core_type = #tpu.core_type<tc>, window_params = [{transform_indices = @transform_0, window_bounds = array<i64: 1, 3392, 128>}, {transform_indices = @transform_1, window_bounds = array<i64: 1, 3392, 128>}, {transform_indices = @transform_2, window_bounds = array<i64: 3392, 128>}, {pipeline_mode = #tpu.pipeline_mode<synchronous>, transform_indices = @transform_3, window_bounds = array<i64: 128, 128>}, {pipeline_mode = #tpu.pipeline_mode<synchronous>, transform_indices = @transform_4, window_bounds = array<i64: 1, 128>}, {transform_indices = @transform_5, window_bounds = array<i64: 3392, 128>}]} {
    %get3A = arith.constant 0 : index
    %get3A_0 = arith.constant 0 : index
    %get3A_1 = arith.constant 0 : index
    %get3A_2 = vector.load %arg1[%get3A, %get3A_0, %get3A_1] : memref<1x3392x128xf32, #tpu.memory_space<vmem>>, vector<1x3392x128xf32>
    %get3A_3 = vector.shape_cast %get3A_2 : vector<1x3392x128xf32> to vector<3392x128xf32>
    %get3A_4 = arith.constant 0 : index
    %get3A_5 = arith.constant 0 : index
    %get3A_6 = arith.constant 0 : index
    %get3A_7 = vector.load %arg2[%get3A_4, %get3A_5, %get3A_6] : memref<1x3392x128xf32, #tpu.memory_space<vmem>>, vector<1x3392x128xf32>
    %get3A_8 = vector.shape_cast %get3A_7 : vector<1x3392x128xf32> to vector<3392x128xf32>
    %add3A = arith.addf %get3A_3, %get3A_8 : vector<3392x128xf32>
    %get3A_9 = arith.constant 0 : index
    %get3A_10 = arith.constant 0 : index
    %get3A_11 = vector.load %arg3[%get3A_9, %get3A_10] : memref<3392x128xf32, #tpu.memory_space<vmem>>, vector<3392x128xf32>
    %sub3A = arith.subf %add3A, %get3A_11 : vector<3392x128xf32>
    %get3A_12 = arith.constant 0 : index
    %get3A_13 = arith.constant 0 : index
    %get3A_14 = vector.load %arg4[%get3A_12, %get3A_13] : memref<128x128xf32, #tpu.memory_space<vmem>>, vector<128x128xf32>
    %dot_general3A = arith.constant dense<0.000000e+00> : vector<3392x128xf32>
    %dot_general3A_15 = tpu.matmul %sub3A, %get3A_14, %dot_general3A {dimension_numbers = #tpu.dot_dimension_numbers<[1], [0], [0], [1], [0, 0, 1, 1], [], []>, transpose_lhs_hint = false} : vector<3392x128xf32>, vector<128x128xf32>, vector<3392x128xf32> -> vector<3392x128xf32>
    %get3A_16 = arith.constant 0 : index
    %get3A_17 = arith.constant 0 : index
    %get3A_18 = vector.load %arg5[%get3A_16, %get3A_17] : memref<1x128xf32, #tpu.memory_space<vmem>>, vector<1x128xf32>
    %add3A_19 = vector.broadcast %get3A_18 : vector<1x128xf32> to vector<3392x128xf32>
    %add3A_20 = arith.addf %dot_general3A_15, %add3A_19 : vector<3392x128xf32>
    %swap3A = arith.constant 0 : index
    %swap3A_21 = arith.constant 0 : index
    %swap3A_22 = vector.load %arg6[%swap3A, %swap3A_21] : memref<3392x128xf32, #tpu.memory_space<vmem>>, vector<3392x128xf32>
    tpu.vector_store %arg6[%swap3A, %swap3A_21], %add3A_20 {strides = array<i32>} : memref<3392x128xf32, #tpu.memory_space<vmem>>, vector<3392x128xf32>,
    return
  }
  func.func @transform_0(%arg0: i32) -> (i32, i32, i32) {
    %c0_i32 = arith.constant 0 : i32
    %c0_i32_0 = arith.constant 0 : i32
    %c0_i32_1 = arith.constant 0 : i32
    return %c0_i32, %arg0, %c0_i32_0 : i32, i32, i32
  }
  func.func @transform_1(%arg0: i32) -> (i32, i32, i32) {
    %c1_i32 = arith.constant 1 : i32
    %c0_i32 = arith.constant 0 : i32
    %c0_i32_0 = arith.constant 0 : i32
    return %c1_i32, %arg0, %c0_i32 : i32, i32, i32
  }
  func.func @transform_2(%arg0: i32) -> (i32, i32) {
    %c0_i32 = arith.constant 0 : i32
    %c0_i32_0 = arith.constant 0 : i32
    return %arg0, %c0_i32 : i32, i32
  }
  func.func @transform_3(%arg0: i32) -> (i32, i32) {
    %c0_i32 = arith.constant 0 : i32
    %c0_i32_0 = arith.constant 0 : i32
    %c0_i32_1 = arith.constant 0 : i32
    return %c0_i32, %c0_i32_0 : i32, i32
  }
  func.func @transform_4(%arg0: i32) -> (i32, i32) {
    %c0_i32 = arith.constant 0 : i32
    %c0_i32_0 = arith.constant 0 : i32
    %c0_i32_1 = arith.constant 0 : i32
    return %c0_i32, %c0_i32_0 : i32, i32
  }
  func.func @transform_5(%arg0: i32) -> (i32, i32) {
    %c0_i32 = arith.constant 0 : i32
    %c0_i32_0 = arith.constant 0 : i32
    return %arg0, %c0_i32 : i32, i32
  }
}

</mosaic_0001>

<sc_bundles>
// kernel: kernel.4.cloned.1.call-start
scs
__scs_entry_jumppad:
0x0: {  	(pc) =	sbr.rel $0x88, $3  }
0x1: {  	(tag) =	ssettag $0x0;
	lr =	simm.s32 $0x1  }
0x2: {  	[smem:$0x3F9D] =	sst lr;
	_ =	strace $0xD0000000  }
0x3: {  	_ = 	snop  }
0x4: {  	_ = 	snop  }
0x5: {  	_ = 	snop  }
0x6: {  	_ = 	snop  }
0x7: {  	_ = 	snop  }
__scs_overlays_trampoline_lowered:
0x8: {  	[smem:$0x3FAC] =	sst s0  }
0x9: {  	[smem:$0x3FAD] =	sst s1  }
0xa: {  	[smem:$0x3FAE] =	sst s2  }
0xb: {  	[smem:$0x3FAF] =	sst s3  }
0xc: {  	[smem:$0x3FB0] =	sst s4  }
0xd: {  	[smem:$0x3FB1] =	sst s5  }
0xe: {  	[smem:$0x3FB2] =	sst s6  }
0xf: {  	[smem:$0x3FB3] =	sst s7  }
0x10: {  	[smem:$0x3FB4] =	sst s8  }
0x11: {  	[smem:$0x3FB5] =	sst s9;
	s0 =	simm.s32 @!p0 $0x0  }
0x12: {  	s1 =	sld [smem:$0x3F9B];
	s0 =	simm.s32 @p0 $0x1  }
0x13: {  	[smem:$0x3FB6] =	sst s0;
	s0 =	simm.s32 @!p1 $0x0  }
0x14: {  	s2 =	sld [smem:$0x3F9A];
	s0 =	simm.s32 @p1 $0x1  }
0x15: {  	[smem:$0x3FB7] =	sst s0;
	s0 =	simm.s32 @!p2 $0x0  }
0x16: {  	s3 =	sld [smem:$0x3FDB];
	s0 =	simm.s32 @p2 $0x1  }
0x17: {  	s4 =	simm.s32 $0x1BF5;
	[smem:$0x3FB9] =	sst s0  }
0x18: {  	s0 =	sld [smem:$0x3F9C];
	_ =	swait.ge [sflag:s4], $0x0  }
0x19: {  	s7 =	sld [smem:$0x3F9D]  }
0x1a: {  	s8 =	sadd.s32 $0xFFFFE003, lr  }
0x1b: {  	s9 =	sadd.s32 $0xFFFFFEF7, lr;
	s5 =	simm.s32 $0xFFFFFFFF;
	p2 =	slt.u32 s8, $0xFFFFF086  }
0x1c: {  	p1 =	slt.u32 s9, $0xF7A;
	s5 =	simm.s32 @!p2 $0x0  }
0x1d: {  	s5 =	simm.s32 @p1 $0x1;
	p0 =	seq.s32 s7, s2  }
0x1e: {  	s7 =	smul.u32 @!p0 $0xF7A, s2;
	p2 =	seq.s32 @!p0 s5, $0x0  }
0x1f: {  	s9 =	smul.u32 $0xF7A, s1;
	s8 =	simm.s32 @!p0 $0x1BF5;
	p2 =	por !p2, p0  }
0x20: {  	[sflag:s8] =	ssyncset.s32 @!p0 $0xFFFFF086;
	s6 =	sadd.s32 @!p0 s3, s7;
	s7 =	simm.s32 @!p0 $0x108  }
0x21: {  	s3 =	sadd.s32 s3, s9;
	s6 =	sadd.s32 @!p0 $0x88, s6;
	s7 =	simm.s32 @p2 $0x1082  }
0x22: {  	[simem:s7], [sflag:s8] =	dma.local @!p0 [hbm:s6], $0xF7A  }
0x23: {  	s9 =	sor.u32 $0xD0000000, s2;
	s6 =	simm.s32 $0x108;
	_ =	swait.ge @!p0 [sflag:s8], $0x0  }
0x24: {  	s3 =	sadd.s32 $0x88, s3;
	s6 =	simm.s32 @!p1 $0x1082;
	[sflag:s4] =	ssyncset.s32 $0xFFFFF086  }
0x25: {  	[simem:s6], [sflag:s4] =	dma.local [hbm:s3], $0xF7A  }
0x26: {  	[smem:$0x3F9D] =	sst s1;
	(tag) =	ssettag s2;
	_ =	strace s9  }
0x27: {  	s1 =	sld [smem:$0x3FAD]  }
0x28: {  	s2 =	sld [smem:$0x3FAE]  }
0x29: {  	s4 =	sld [smem:$0x3FB0]  }
0x2a: {  	p0 =	seq.s32 s5, $0x0;
	s5 =	sld [smem:$0x3FB1]  }
0x2b: {  	s6 =	sld [smem:$0x3FB2]  }
0x2c: {  	s7 =	sld [smem:$0x3FB3]  }
0x2d: {  	s3 =	simm.s32 $0x108;
	s8 =	sld [smem:$0x3FB4]  }
0x2e: {  	s3 =	simm.s32 @!p0 $0x1082;
	s9 =	sld [smem:$0x3FB5]  }
0x2f: {  	lr =	sadd.s32 s0, s3;
	s0 =	sld [smem:$0x3FAC]  }
0x30: {  	s3 =	sld [smem:$0x3FAF]  }
0x31: {  	[smem:$0x3FB8] =	sst s10  }
0x32: {  	s10 =	sld [smem:$0x3FB6];
	_ =	sdelay $0x3  }
0x33: {  	p0 =	seq.s32 s10, $0x1;
	s10 =	sld [smem:$0x3FB8];
	_ =	sdelay $0x3  }
0x34: {  	[smem:$0x3FB8] =	sst s10  }
0x35: {  	s10 =	sld [smem:$0x3FB7];
	_ =	sdelay $0x3  }
0x36: {  	p1 =	seq.s32 s10, $0x1;
	s10 =	sld [smem:$0x3FB8];
	_ =	sdelay $0x3  }
0x37: {  	[smem:$0x3FB8] =	sst s10  }
0x38: {  	s10 =	sld [smem:$0x3FB9]  }
0x39: {  	_ = 	snop;
	(pc) =	sbr.ind lr, $3  }
0x3a: {  	_ = 	snop  }
0x3b: {  	_ = 	snop  }
0x3c: {  	p2 =	seq.s32 s10, $0x1;
	s10 =	sld [smem:$0x3FB8]  }
0x3d: {  	_ =	shalt  }
0x3e: {  	_ =	shalt  }
0x3f: {  	_ =	shalt  }
0x40: {  	_ =	shalt  }
0x41: {  	_ =	shalt  }
0x42: {  	_ =	shalt  }
0x43: {  	_ =	shalt  }
0x44: {  	_ =	shalt  }
0x45: {  	_ =	shalt  }
0x46: {  	_ =	shalt  }
0x47: {  	_ =	shalt  }
0x48: {  	_ =	shalt  }
0x49: {  	_ =	shalt  }
0x4a: {  	_ =	shalt  }
0x4b: {  	_ =	shalt  }
0x4c: {  	_ =	shalt  }
0x4d: {  	_ =	shalt  }
0x4e: {  	_ =	shalt  }
0x4f: {  	_ =	shalt  }
0x50: {  	_ =	shalt  }
0x51: {  	_ =	shalt  }
0x52: {  	_ =	shalt  }
0x53: {  	_ =	shalt  }
0x54: {  	_ =	shalt  }
0x55: {  	_ =	shalt  }
0x56: {  	_ =	shalt  }
0x57: {  	_ =	shalt  }
0x58: {  	_ =	shalt  }
0x59: {  	_ =	shalt  }
0x5a: {  	_ =	shalt  }
0x5b: {  	_ =	shalt  }
0x5c: {  	_ =	shalt  }
0x5d: {  	_ =	shalt  }
0x5e: {  	_ =	shalt  }
0x5f: {  	_ =	shalt  }
0x60: {  	_ =	shalt  }
0x61: {  	_ =	shalt  }
0x62: {  	_ =	shalt  }
0x63: {  	_ =	shalt  }
0x64: {  	_ =	shalt  }
0x65: {  	_ =	shalt  }
0x66: {  	_ =	shalt  }
0x67: {  	_ =	shalt  }
0x68: {  	_ =	shalt  }
0x69: {  	_ =	shalt  }
0x6a: {  	_ =	shalt  }
0x6b: {  	_ =	shalt  }
0x6c: {  	_ =	shalt  }
0x6d: {  	_ =	shalt  }
0x6e: {  	_ =	shalt  }
0x6f: {  	_ =	shalt  }
0x70: {  	_ =	shalt  }
0x71: {  	_ =	shalt  }
0x72: {  	_ =	shalt  }
0x73: {  	_ =	shalt  }
0x74: {  	_ =	shalt  }
0x75: {  	_ =	shalt  }
0x76: {  	_ =	shalt  }
0x77: {  	_ =	shalt  }
0x78: {  	_ =	shalt  }
0x79: {  	_ =	shalt  }
0x7a: {  	_ =	shalt  }
0x7b: {  	_ =	shalt  }
0x7c: {  	_ =	shalt  }
0x7d: {  	_ =	shalt  }
0x7e: {  	_ =	shalt  }
0x7f: {  	_ =	shalt  }
0x80: {  	_ =	shalt  }
0x81: {  	_ =	shalt  }
0x82: {  	_ =	shalt  }
0x83: {  	_ =	shalt  }
0x84: {  	_ =	shalt  }
0x85: {  	_ =	shalt  }
0x86: {  	_ =	shalt  }
0x87: {  	_ =	shalt  }
.Lfunc_end0:
.L_simem_size_0:
called_computation_lowered:
.L_overlay_start_0:
0x88: {  	s2 =	sld [smem:$0x3FD9]  }
0x89: {  	s3 =	sld [smem:$0x3FFE];
	_ =	sdelay $0x1  }
0x8a: {  	s1 =	srdreg.scid  }
0x8b: {  	s0 =	sand.u32 $0x1, s1  }
0x8c: {  	s17 =	sshll.u32 s0, $0xA;
	s2 =	sadd.s32 s3, s2  }
0x8d: {  	s2 =	sadd.s32 s2, s17  }
0x8e: {  	[smem:$0x3FC4] =	sst s2  }
0x8f: {  	_ = 	snop  }
0x90: {  	s2 =	sld [smem:$0x3FC9]  }
0x91: {  	s18 =	sld [smem:$0x3FD0];
	(tm) =	ssettm $0x1  }
0x92: {  	s4 =	sld [smem:$0x3FFB];
	_ =	sdelay $0x3  }
0x93: {  	_ =	strace s4  }
0x94: {  	s4 =	sld [smem:$0x3FFC];
	_ =	sdelay $0x3  }
0x95: {  	_ =	strace s4  }
0x96: {  	s4 =	sld [smem:$0x3FFD];
	_ =	sdelay $0x3  }
0x97: {  	_ =	strace s4  }
0x98: {  	_ =	strace $0x8FFFFFFF  }
0x99: {  	s19 =	sld [smem:$0x3FDB];
	_ =	sdelay $0x1  }
0x9a: {  	s5 =	simm.s32 $_scs_section_size  }
0x9b: {  	s6 =	simm.s32 $_size__tile_overlayer_lowered;
	s7 =	simm.s32 $_tile_overlayer_lowered  }
0x9c: {  	s22 =	simm.s32 $0x1BFF;
	s21 =	sshll.u32 s7, $0x1;
	s4 =	sadd.s32 s5, s19  }
0x9d: {  	s8 =	simm.s32 $0x0;
	s20 =	sshll.u32 s6, $0x1;
	s6 =	sadd.s32 s21, s4  }
0x9e: {  	[timem:s8], [sflag:s22] =	dma.local [hbm:s6], s20  }
0x9f: {  	_ =	swait.ge [sflag:s22], s20  }
0xa0: {  	s5 =	ssub.s32 $0x0, s20;
	[sflag:s22] =	ssyncset.done $0x0  }
0xa1: {  	[sflag:s22] =	ssyncadd.s32 s5;
	_ =	sdelay $0x1  }
0xa2: {  	s23 =	simm.s32 $0x1B8B  }
0xa3: {  	_ =	swait.ge [sflag:s23], $0x1  }
0xa4: {  	[sflag:s23] =	ssyncset.done $0x0  }
0xa5: {  	s25 =	simm.s32 $0x1B8E;
	s24 =	sld [smem:$0x3FFE];
	[sflag:s23] =	ssyncadd.s32 $0xFFFFFFFF  }
0xa6: {  	s26 =	simm.s32 $execute0_lowered;
	[smem:$0x3FD2] =	sst s25  }
0xa7: {  	s6 =	sshll.u32 s26, $0x1;
	_ =	strace $0x80000046;
	[dreg:$0x1] =	wrdreg $0xFFFFFFFF  }
0xa8: {  	s28 =	simm.s32 $_size_execute0_lowered;
	s4 =	sadd.s32 s4, s6;
	[dreg:$0x0] =	wrdreg $0x0  }
0xa9: {  	s6 =	sshll.u32 s28, $0x1;
	[dreg:$0x2] =	wrdreg s4  }
0xaa: {  	[dreg:$0x3] =	wrdreg s6  }
0xab: {  	[dreg:$0x4] =	wrdreg $0xC0  }
0xac: {  	_ =	task [dreg:s8], $0x5FFFF  }
0xad: {  	[dreg:$0x1] =	wrdreg $0xFFFFFFFF  }
0xae: {  	[dreg:$0x0] =	wrdreg $0x60  }
0xaf: {  	[dreg:$0x2] =	wrdreg s18  }
0xb0: {  	[dreg:$0x3] =	wrdreg s2  }
0xb1: {  	[dreg:$0x4] =	wrdreg s24  }
0xb2: {  	[dreg:$0x5] =	wrdreg $0x0  }
0xb3: {  	[dreg:$0x6] =	wrdreg $0x9  }
0xb4: {  	_ =	task.clear_ibuf [dreg:s8], $0x7FFFF;
	_ =	strace $0x90000046  }
0xb5: {  	s29 =	simm.s32 $0x9;
	_ =	strace $0x80000048  }
0xb6: {  	_ =	swait.ge [sflag:s29], $0x1  }
0xb7: {  	[sflag:s29] =	ssyncadd.s32 $0xFFFFFFFF  }
0xb8: {  	_ =	strace $0x90000048  }
0xb9: {  	_ =	sfence  }
0xba: {  	s30 =	sld [smem:$0x0];
	_ =	sdelay $0x2  }
0xbb: {  	s31 =	sshll.u32 s1, $0xD;
	s1 =	sshrl.u32 s1, $0x2  }
0xbc: {  	s3 =	sand.u32 $0x4000, s31;
	s1 =	sadd.s32 s1, s30  }
0xbd: {  	s0 =	sor.u32 s3, s0;
	s1 =	sshll.u32 s1, $0x11  }
0xbe: {  	s0 =	sor.u32 s1, s0  }
0xbf: {  	s0 =	sadd.s32 $0x8F2B, s0  }
0xc0: {  	[sflag:s0] =	ssyncadd.remote.s32 $0x1  }
0xc1: {  	_ =	sfence.sel $0xFFFF  }
0xc2: {  	[dreg:$0x0] =	wrdreg $0xFFFFFFFF;
	(pc) =	sbr.abs _section_cstart, $3  }
0xc3: {  	[dreg:$0x1] =	wrdreg $0xFFFFFFFF  }
0xc4: {  	_ =	task.clear_ibuf [dreg:s8], $0x2FFFF;
	_ =	strace $0x9FFFFFFF  }
0xc5: {  	(tm) =	ssettm $0x7FFFFFFF  }
tec
execute0_lowered:
.L_overlay_start_1:
0x0: {  	(tag) =	ssettag $0x1  }
0x1: {  	s2 =	rddreg [dreg:$0x0]  }
0x2: {  	s1 =	rddreg [dreg:$0x1]  }
0x3: {  	s5 =	rddreg [dreg:$0x2]  }
0x4: {  	s0 =	srdreg.scid;
	s3 =	rddreg [dreg:$0x3];
	s4 =	simm.s32 $0x0  }
0x5: {  	s14 =	simm.s32 $0x13C00;
	s15 =	simm.s32 $0x3;
	s16 =	simm.s32 $0x15000  }
0x6: {  	s20 =	simm.s32 $0x80;
	s21 =	simm.s32 $0x16400;
	s6 =	sand.u32 $0x1, s0  }
0x7: {  	s28 =	simm.s32 $0x16300;
	s0 =	stileid.u32;
	s7 =	smul.u32 $0x13C000, s6  }
0x8: {  	s29 =	simm.s32 $0x16380;
	s30 =	simm.s32 $0x0;
	s8 =	smul.u32 $0x13C00, s0  }
0x9: {  	[smem:$0x7FF] =	sst s4;
	s9 =	sshll.u32 s0, $0x1;
	s24 =	smul.u32 $0x4F000, s0  }
0xa: {  	_ =	strace $0x80000047;
	s26 =	smul.u32 $0x2780, s0;
	p0 =	seq.s32 s0, $0xF  }
0xb: {  	s31 =	sshll.u32 s0, $0x6;
	s22 =	sor.u32 s6, s9;
	s6 =	ssub.s32 $0x2, s6  }
0xc: {  	s9 =	sadd.s32 $0x25080, s1;
	s18 =	sshll.u32 @!p0 s0, $0x6;
	s7 =	sadd.s32 s8, s7  }
0xd: {  	s8 =	smul.u32 $0x2800, s22;
	s25 =	sshrl.u32 s6, $0x1;
	s18 =	sor.u32 @!p0 $0x1C03, s18  }
0xe: {  	s22 =	simm.s32 $0x13C80;
	s7 =	sshrl.u32 s7, $0x3;
	s13 =	ssub.s32 s6, s25  }
0xf: {  	s25 =	sor.u32 $0x1C03, s31;
	s12 =	sadd.s32 s7, s5;
	s23 =	sshrl.u32 s8, $0x3  }
0x10: {  	s7 =	sshrl.u32 s24, $0x2;
	s8 =	sadd.s32 s1, s26;
	s13 =	smax.u32 s13, $0x1  }
0x11: {  	s24 =	simm.s32 $0x1;
	s26 =	simm.s32 $0x2;
	s5 =	sadd.s32 s2, s23  }
0x12: {  	s7 =	sadd.s32 s7, s3;
	s2 =	sadd.s32 $0x128400, s3;
	s12 =	sadd.s32 $0x1200, s12  }
0x13: {  	s23 =	simm.s32 $0x1A400;
	s6 =	sadd.s32 $0xA000, s5;
	s10 =	sadd.s32 $0x280, s5  }
0x14: {  	s11 =	sadd.s32 $0xA280, s5;
	s17 =	sshrl.u32 @p0 s2, $0x3;
	s19 =	sshrl.u32 @!p0 s7, $0x3  }
.LBB2_1:
0x15: {  	[tilespmem:s14], [sflag:$0x3] =	stream.linear.gather [hbm4b:s5+s4], $0x1400, $0x38;
	[tilespmem:$0x1E400] =	vst v63  }
0x16: {  	_ =	swait.ge [sflag:s15], $0x1400  }
0x17: {  	[sflag:s15] =	ssyncset.done $0x0  }
0x18: {  	[sflag:s15] =	ssyncadd.s32 $0xFFFFEC00  }
0x19: {  	[tilespmem:s16], [sflag:$0x3] =	stream.linear.gather [hbm4b:s6+s4], $0x1400, $0x38;
	[tilespmem:$0x1E400] =	vst v63  }
0x1a: {  	_ =	swait.ge [sflag:s15], $0x1400  }
0x1b: {  	[sflag:s15] =	ssyncset.done $0x0  }
0x1c: {  	s2 =	simm.s32 @p0 $0x1FC3;
	[sflag:s15] =	ssyncadd.s32 $0xFFFFEC00  }
0x1d: {  	[spmem:s17], [sflag:s2] =	dma.local @p0 [hbm:s9], $0x2080  }
0x1e: {  	s2 =	simm.s32 @p0 $0x3  }
0x1f: {  	_ =	swait.ge @p0 [sflag:s2], $0x2080  }
0x20: {  	[sflag:s2] =	ssyncset.done @p0 $0x0  }
0x21: {  	[sflag:s2] =	ssyncadd.s32 @p0 $0xFFFFDF80;
	s2 =	simm.s32 @!p0 $0x3  }
0x22: {  	[spmem:s19], [sflag:s18] =	dma.local @!p0 [hbm:s8], $0x2780  }
0x23: {  	_ =	swait.ge @!p0 [sflag:s2], $0x2780  }
0x24: {  	[sflag:s2] =	ssyncset.done @!p0 $0x0  }
0x25: {  	[sflag:s2] =	ssyncadd.s32 @!p0 $0xFFFFD880  }
0x26: {  	[bflag:$0x0] =	sbarrier.arrive $0xFFFF  }
0x27: {  	[tilespmem:s21], [sflag:$0x1] =	stream.indirect.gather [hbm4b:s1+s20], $0x80, s14, s20, $0xb8;
	[tilespmem:$0x1E400] =	vst v63  }
0x28: {  	_ = 	snop  }
0x29: {  	[tilespmem:s23], [sflag:$0x2] =	stream.indirect.gather [hbm4b:s1+s20], $0x80, s22, s20, $0xb8;
	[tilespmem:$0x1E400] =	vst v63  }
0x2a: {  	_ =	swait.ge [sflag:s24], $0x4000  }
0x2b: {  	[sflag:s24] =	ssyncset.done $0x0  }
0x2c: {  	s0 =	simm.s32 $0x15000;
	[sflag:s24] =	ssyncadd.s32 $0xFFFFC000  }
0x2d: {  	[spmem:s3] =	stream.indirect.scatter.add.f32 [tilespmem:s21], [sflag:$0x3], $0x80, s0, s20, $0xb8;
	[tilespmem:$0x1E400] =	vst v63  }
0x2e: {  	_ =	swait.ge [sflag:s15], $0x4000  }
0x2f: {  	[sflag:s15] =	ssyncset.done $0x0  }
0x30: {  	s0 =	simm.s32 $0x13D00;
	[sflag:s15] =	ssyncadd.s32 $0xFFFFC000  }
0x31: {  	[tilespmem:s21], [sflag:$0x1] =	stream.indirect.gather [hbm4b:s1+s20], $0x80, s0, s20, $0xb8;
	[tilespmem:$0x1E400] =	vst v63  }
0x32: {  	_ =	swait.ge [sflag:s26], $0x4000  }
0x33: {  	[sflag:s26] =	ssyncset.done $0x0  }
0x34: {  	s0 =	simm.s32 $0x15080;
	[sflag:s26] =	ssyncadd.s32 $0xFFFFC000  }
0x35: {  	[spmem:s3] =	stream.indirect.scatter.add.f32 [tilespmem:s23], [sflag:$0x3], $0x80, s0, s20, $0xb8;
	[tilespmem:$0x1E400] =	vst v63  }
0x36: {  	_ =	swait.ge [sflag:s15], $0x4000  }
0x37: {  	[sflag:s15] =	ssyncset.done $0x0  }
0x38: {  	s31 =	simm.s32 $0x400;
	s2 =	simm.s32 $0x13D80;
	[sflag:s15] =	ssyncadd.s32 $0xFFFFC000  }
.LBB2_2:
0x39: {  	[tilespmem:s23], [sflag:$0x2] =	stream.indirect.gather [hbm4b:s1+s20], $0x80, s2, s20, $0xb8;
	[tilespmem:$0x1E400] =	vst v63  }
0x3a: {  	s2 =	smov.u32 s31  }
0x3b: {  	p1 =	sne.s32 s31, $0x4800;
	s31 =	sadd.s32 $0x400, s31;
	_ =	swait.ge [sflag:s24], $0x4000  }
0x3c: {  	s2 =	sshra.s32 s2, $0x2;
	[sflag:s24] =	ssyncset.done $0x0  }
0x3d: {  	s0 =	sadd.s32 $0x15000, s2;
	[sflag:s24] =	ssyncadd.s32 $0xFFFFC000  }
0x3e: {  	[spmem:s3] =	stream.indirect.scatter.add.f32 [tilespmem:s21], [sflag:$0x3], $0x80, s0, s20, $0xb8;
	[tilespmem:$0x1E400] =	vst v63  }
0x3f: {  	_ =	swait.ge [sflag:s15], $0x4000  }
0x40: {  	[sflag:s15] =	ssyncset.done $0x0  }
0x41: {  	s0 =	sadd.s32 $0x13D00, s2;
	[sflag:s15] =	ssyncadd.s32 $0xFFFFC000  }
0x42: {  	[tilespmem:s21], [sflag:$0x1] =	stream.indirect.gather [hbm4b:s1+s20], $0x80, s0, s20, $0xb8;
	[tilespmem:$0x1E400] =	vst v63  }
0x43: {  	_ =	swait.ge [sflag:s26], $0x4000  }
0x44: {  	[sflag:s26] =	ssyncset.done $0x0  }
.Ltmp0:
0x45: {  	s0 =	sadd.s32 $0x15080, s2;
	[sflag:s26] =	ssyncadd.s32 $0xFFFFC000;
	(pc) =	sbr.rel @p1 .LBB2_2-.Ltmp0, $4  }
0x46: {  	[spmem:s3] =	stream.indirect.scatter.add.f32 [tilespmem:s23], [sflag:$0x3], $0x80, s0, s20, $0xb8;
	[tilespmem:$0x1E400] =	vst v63  }
0x47: {  	_ =	swait.ge [sflag:s15], $0x4000  }
0x48: {  	[sflag:s15] =	ssyncset.done $0x0  }
0x49: {  	s2 =	sadd.s32 $0x13D80, s2;
	[sflag:s15] =	ssyncadd.s32 $0xFFFFC000  }
0x4a: {  	[tilespmem:s23], [sflag:$0x2] =	stream.indirect.gather [hbm4b:s1+s20], $0x80, s2, s20, $0xb8;
	[tilespmem:$0x1E400] =	vst v63  }
0x4b: {  	_ =	swait.ge [sflag:s24], $0x4000  }
0x4c: {  	[sflag:s24] =	ssyncset.done $0x0  }
0x4d: {  	[sflag:s24] =	ssyncadd.s32 $0xFFFFC000  }
0x4e: {  	[spmem:s3] =	stream.indirect.scatter.add.f32 [tilespmem:s21], [sflag:$0x3], $0x80, s28, s20, $0xb8;
	[tilespmem:$0x1E400] =	vst v63  }
0x4f: {  	_ =	swait.ge [sflag:s15], $0x4000  }
0x50: {  	[sflag:s15] =	ssyncset.done $0x0  }
0x51: {  	[sflag:s15] =	ssyncadd.s32 $0xFFFFC000  }
0x52: {  	_ =	swait.ge [sflag:s26], $0x4000  }
0x53: {  	[sflag:s26] =	ssyncset.done $0x0  }
0x54: {  	[sflag:s26] =	ssyncadd.s32 $0xFFFFC000  }
0x55: {  	[spmem:s3] =	stream.indirect.scatter.add.f32 [tilespmem:s23], [sflag:$0x3], $0x80, s29, s20, $0xb8;
	[tilespmem:$0x1E400] =	vst v63  }
0x56: {  	_ =	swait.ge [sflag:s15], $0x4000  }
0x57: {  	[sflag:s15] =	ssyncset.done $0x0  }
0x58: {  	s0 =	simm.s32 $0x0;
	[sflag:s15] =	ssyncadd.s32 $0xFFFFC000  }
0x59: {  	[tilespmem:s14], [sflag:$0x3] =	stream.linear.gather [hbm4b:s10+s0], $0x1400, $0x38;
	[tilespmem:$0x1E400] =	vst v63  }
0x5a: {  	_ =	swait.ge [sflag:s15], $0x1400  }
0x5b: {  	[sflag:s15] =	ssyncset.done $0x0  }
0x5c: {  	[sflag:s15] =	ssyncadd.s32 $0xFFFFEC00  }
0x5d: {  	[tilespmem:s16], [sflag:$0x3] =	stream.linear.gather [hbm4b:s11+s0], $0x1400, $0x38;
	[tilespmem:$0x1E400] =	vst v63  }
0x5e: {  	_ =	swait.ge [sflag:s15], $0x1400  }
0x5f: {  	[sflag:s15] =	ssyncset.done $0x0  }
0x60: {  	[sflag:s15] =	ssyncadd.s32 $0xFFFFEC00  }
0x61: {  	[tilespmem:s21], [sflag:$0x1] =	stream.indirect.gather [hbm4b:s1+s20], $0x80, s14, s20, $0xb8;
	[tilespmem:$0x1E400] =	vst v63  }
0x62: {  	_ = 	snop  }
0x63: {  	[tilespmem:s23], [sflag:$0x2] =	stream.indirect.gather [hbm4b:s1+s20], $0x80, s22, s20, $0xb8;
	[tilespmem:$0x1E400] =	vst v63  }
0x64: {  	_ =	swait.ge [sflag:s24], $0x4000  }
0x65: {  	[sflag:s24] =	ssyncset.done $0x0  }
0x66: {  	s2 =	simm.s32 $0x15000;
	[sflag:s24] =	ssyncadd.s32 $0xFFFFC000  }
0x67: {  	[spmem:s3] =	stream.indirect.scatter.add.f32 [tilespmem:s21], [sflag:$0x3], $0x80, s2, s20, $0xb8;
	[tilespmem:$0x1E400] =	vst v63  }
0x68: {  	_ =	swait.ge [sflag:s15], $0x4000  }
0x69: {  	[sflag:s15] =	ssyncset.done $0x0  }
0x6a: {  	s2 =	simm.s32 $0x13D00;
	[sflag:s15] =	ssyncadd.s32 $0xFFFFC000  }
0x6b: {  	[tilespmem:s21], [sflag:$0x1] =	stream.indirect.gather [hbm4b:s1+s20], $0x80, s2, s20, $0xb8;
	[tilespmem:$0x1E400] =	vst v63  }
0x6c: {  	_ =	swait.ge [sflag:s26], $0x4000  }
0x6d: {  	[sflag:s26] =	ssyncset.done $0x0  }
0x6e: {  	s2 =	simm.s32 $0x15080;
	[sflag:s26] =	ssyncadd.s32 $0xFFFFC000  }
0x6f: {  	[spmem:s3] =	stream.indirect.scatter.add.f32 [tilespmem:s23], [sflag:$0x3], $0x80, s2, s20, $0xb8;
	[tilespmem:$0x1E400] =	vst v63  }
0x70: {  	_ =	swait.ge [sflag:s15], $0x4000  }
0x71: {  	[sflag:s15] =	ssyncset.done $0x0  }
0x72: {  	s31 =	simm.s32 $0x400;
	s2 =	simm.s32 $0x13D80;
	[sflag:s15] =	ssyncadd.s32 $0xFFFFC000  }
.LBB2_4:
0x73: {  	[tilespmem:s23], [sflag:$0x2] =	stream.indirect.gather [hbm4b:s1+s20], $0x80, s2, s20, $0xb8;
	[tilespmem:$0x1E400] =	vst v63  }
0x74: {  	s0 =	smov.u32 s31  }
0x75: {  	p1 =	sne.s32 s31, $0x4800;
	s31 =	sadd.s32 $0x400, s31;
	_ =	swait.ge [sflag:s24], $0x4000  }
0x76: {  	s0 =	sshra.s32 s0, $0x2;
	[sflag:s24] =	ssyncset.done $0x0  }
0x77: {  	s2 =	sadd.s32 $0x15000, s0;
	[sflag:s24] =	ssyncadd.s32 $0xFFFFC000  }
0x78: {  	[spmem:s3] =	stream.indirect.scatter.add.f32 [tilespmem:s21], [sflag:$0x3], $0x80, s2, s20, $0xb8;
	[tilespmem:$0x1E400] =	vst v63  }
0x79: {  	_ =	swait.ge [sflag:s15], $0x4000  }
0x7a: {  	[sflag:s15] =	ssyncset.done $0x0  }
0x7b: {  	s2 =	sadd.s32 $0x13D00, s0;
	[sflag:s15] =	ssyncadd.s32 $0xFFFFC000  }
0x7c: {  	[tilespmem:s21], [sflag:$0x1] =	stream.indirect.gather [hbm4b:s1+s20], $0x80, s2, s20, $0xb8;
	[tilespmem:$0x1E400] =	vst v63  }
0x7d: {  	_ =	swait.ge [sflag:s26], $0x4000  }
0x7e: {  	[sflag:s26] =	ssyncset.done $0x0  }
.Ltmp1:
0x7f: {  	s2 =	sadd.s32 $0x15080, s0;
	[sflag:s26] =	ssyncadd.s32 $0xFFFFC000;
	(pc) =	sbr.rel @p1 .LBB2_4-.Ltmp1, $4  }
0x80: {  	[spmem:s3] =	stream.indirect.scatter.add.f32 [tilespmem:s23], [sflag:$0x3], $0x80, s2, s20, $0xb8;
	[tilespmem:$0x1E400] =	vst v63  }
0x81: {  	_ =	swait.ge [sflag:s15], $0x4000  }
0x82: {  	[sflag:s15] =	ssyncset.done $0x0  }
0x83: {  	s2 =	sadd.s32 $0x13D80, s0;
	[sflag:s15] =	ssyncadd.s32 $0xFFFFC000  }
0x84: {  	[tilespmem:s23], [sflag:$0x2] =	stream.indirect.gather [hbm4b:s1+s20], $0x80, s2, s20, $0xb8;
	[tilespmem:$0x1E400] =	vst v63  }
0x85: {  	_ =	swait.ge [sflag:s24], $0x4000  }
0x86: {  	[sflag:s24] =	ssyncset.done $0x0  }
0x87: {  	[sflag:s24] =	ssyncadd.s32 $0xFFFFC000  }
0x88: {  	[spmem:s3] =	stream.indirect.scatter.add.f32 [tilespmem:s21], [sflag:$0x3], $0x80, s28, s20, $0xb8;
	[tilespmem:$0x1E400] =	vst v63  }
0x89: {  	_ =	swait.ge [sflag:s15], $0x4000  }
0x8a: {  	[sflag:s15] =	ssyncset.done $0x0  }
0x8b: {  	[sflag:s15] =	ssyncadd.s32 $0xFFFFC000  }
0x8c: {  	_ =	swait.ge [sflag:s26], $0x4000  }
0x8d: {  	[sflag:s26] =	ssyncset.done $0x0  }
0x8e: {  	[sflag:s26] =	ssyncadd.s32 $0xFFFFC000  }
0x8f: {  	[spmem:s3] =	stream.indirect.scatter.add.f32 [tilespmem:s23], [sflag:$0x3], $0x80, s29, s20, $0xb8;
	[tilespmem:$0x1E400] =	vst v63  }
0x90: {  	_ =	swait.ge [sflag:s15], $0x4000  }
0x91: {  	[sflag:s15] =	ssyncset.done $0x0  }
0x92: {  	s30 =	sadd.s32 $0x1, s30;
	[sflag:s15] =	ssyncadd.s32 $0xFFFFC000  }
0x93: {  	p1 =	sne.s32 s30, s13;
	[bflag:$0x0] =	sbarrier.arrive $0xFFFF  }
.Ltmp2:
0x94: {  	s0 =	sshrl.u32 s7, $0x3;
	[bflag:$0x0] =	sbarrier.arrive $0xFFFF;
	(pc) =	sbr.rel @p1 .LBB2_1-.Ltmp2, $4  }
0x95: {  	[hbm:s12], [sflag:s25] =	dma.local [spmem:s0], $0x2780  }
0x96: {  	_ =	swait.ge [sflag:s15], $0x2780  }
0x97: {  	[sflag:s15] =	ssyncset.done $0x0  }
0x98: {  	[sflag:s15] =	ssyncadd.s32 $0xFFFFD880  }
0x99: {  	_ =	sfence.sel $0x180000  }
0x9a: {  	[bflag:$0x0] =	sbarrier.arrive $0xFFFF  }
0x9b: {  	_ =	strace $0x90000047  }
0x9c: {  	s0 =	stileid.u32;
	[bflag:$0x2] =	sbarrier.arrive $0xFFFF  }
0x9d: {  	p0 =	sne.s32 s0, $0x0;
	s0 =	rddreg [dreg:$0x4]  }
0x9e: {  	s0 =	sadd.s32 @!p0 $0x100000, s0  }
0x9f: {  	[sflag:s0] =	ssyncadd.tile.s32 @!p0 $0x1;
	_ =	shalt  }
.Lfunc_end2:
_tile_overlayer_lowered:
.L_overlay_start_2:
0xa0: {  	(tag) =	ssettag $0x2  }
0xa1: {  	s0 =	rddreg [dreg:$0x0];
	s2 =	stileid.u32  }
0xa2: {  	s1 =	rddreg [dreg:$0x1];
	p0 =	sne.s32 s2, $0x0  }
0xa3: {  	s3 =	rddreg [dreg:$0x2];
	[bflag:$0x3] =	sbarrier.arrive $0xFFFF;
	s2 =	simm.s32 @!p0 $0x1C03  }
0xa4: {  	[timem:s3], [sflag:s2] =	dma.local @!p0 [hbm:s0], s1  }
0xa5: {  	s0 =	simm.s32 @!p0 $0x3  }
0xa6: {  	_ =	swait.ge @!p0 [sflag:s0], s1  }
0xa7: {  	s1 =	ssub.s32 @!p0 $0x0, s1;
	[sflag:s0] =	ssyncset.done @!p0 $0x0  }
0xa8: {  	[sflag:s0] =	ssyncadd.s32 @!p0 s1  }
0xa9: {  	[bflag:$0x3] =	sbarrier.arrive $0xFFFF  }
0xaa: {  	_ =	shalt  }

</sc_bundles>
